<compile_context>
chip_gen: v7x
topology: tpu7x:2x2x1
jax: 0.10.2.dev20260603
libtpu: 0.0.44.dev20260713+nightly
codegen_flags: <defaults>
</compile_context>

<pallas_src>
import functools

import jax
import jax.numpy as jnp
from jax import lax
from jax.experimental import pallas as pl
from jax.experimental.pallas import tpu as pltpu
from jax.experimental.pallas import tpu_sc as plsc

NC = 2
NS = 16
NW = NC * NS
LANES = 16


def _make_deg_kernel(N, E):
    EPW = E // NW
    mesh = plsc.VectorSubcoreMesh(
        core_axis_name="c", subcore_axis_name="s", num_cores=NC, num_subcores=NS)

    @functools.partial(
        pl.kernel,
        out_type=jax.ShapeDtypeStruct((NW * N,), jnp.float32),
        mesh=mesh,
        scratch_types=[
            pltpu.VMEM((N,), jnp.float32),
            pltpu.VMEM((EPW,), jnp.int32),
        ],
        compiler_params=pltpu.CompilerParams(
            needs_layout_passes=False, use_tc_tiling_on_sc=False),
    )
    def deg_kernel(src_hbm, out_hbm, deg_v, src_v):
        c = lax.axis_index("c")
        s = lax.axis_index("s")
        wid = s * NC + c

        zeros = jnp.zeros((LANES,), jnp.float32)

        def zero_body(i, carry):
            deg_v[pl.ds(i * LANES, LANES)] = zeros
            return carry

        lax.fori_loop(0, N // LANES, zero_body, None)

        pltpu.sync_copy(src_hbm.at[pl.ds(wid * EPW, EPW)], src_v)

        ones = jnp.ones((LANES,), jnp.float32)

        def count_body(i, carry):
            idx = src_v[pl.ds(i * LANES, LANES)]
            plsc.addupdate_scatter(deg_v, [idx], ones)
            return carry

        lax.fori_loop(0, EPW // LANES, count_body, None)

        pltpu.sync_copy(deg_v, out_hbm.at[pl.ds(wid * N, N)])

    return deg_kernel


def _make_prep_kernel(N, D, BLK):
    def prep_body(x_ref, degp_ref, y_ref, r_ref):
        deg = jnp.sum(degp_ref[...], axis=1, keepdims=True)
        r = lax.rsqrt(deg)
        r_ref[...] = r
        y_ref[...] = x_ref[...] * r

    return pl.pallas_call(
        prep_body,
        grid=(N // BLK,),
        in_specs=[
            pl.BlockSpec((BLK, D), lambda i: (i, 0)),
            pl.BlockSpec((BLK, NW), lambda i: (i, 0)),
        ],
        out_specs=[
            pl.BlockSpec((BLK, D), lambda i: (i, 0)),
            pl.BlockSpec((BLK, 1), lambda i: (i, 0)),
        ],
        out_shape=[
            jax.ShapeDtypeStruct((N, D), jnp.float32),
            jax.ShapeDtypeStruct((N, 1), jnp.float32),
        ],
    )


def _make_agg_kernel(N, E, D, CH):
    EPW = E // NW
    NCHK = EPW // CH
    R = N // NS
    ZR = 25
    mesh = plsc.VectorSubcoreMesh(
        core_axis_name="c", subcore_axis_name="s", num_cores=NC, num_subcores=NS)

    @functools.partial(
        pl.kernel,
        out_type=jax.ShapeDtypeStruct((NC, N, D), jnp.float32),
        mesh=mesh,
        scratch_types=[
            pltpu.VMEM((NCHK, CH), jnp.int32),
            pltpu.VMEM((NCHK, CH), jnp.int32),
            pltpu.VMEM((CH, D), jnp.float32),
            pltpu.VMEM((CH, D), jnp.float32),
            pltpu.VMEM((25, D), jnp.float32),
            pltpu.VMEM_SHARED((N, D), jnp.float32),
            pltpu.SemaphoreType.DMA,
            pltpu.SemaphoreType.DMA,
            pltpu.SemaphoreType.DMA,
            pltpu.SemaphoreType.DMA,
            pltpu.SemaphoreType.DMA,
        ],
        compiler_params=pltpu.CompilerParams(
            needs_layout_passes=False, use_tc_tiling_on_sc=False),
    )
    def agg_kernel(y_hbm, src_hbm, dst_hbm, out_hbm,
                   src_v, dst_v, rows0_v, rows1_v, zbuf_v, acc_sh,
                   s0a, s0b, s1a, s1b, si):
        c = lax.axis_index("c")
        s = lax.axis_index("s")
        wid = s * NC + c

        pltpu.async_copy(src_hbm.at[pl.ds(wid * NCHK, NCHK)], src_v, si)
        pltpu.async_copy(dst_hbm.at[pl.ds(wid * NCHK, NCHK)], dst_v, si)

        zeros = jnp.zeros((LANES,), jnp.float32)

        def zrow(i, carry):
            def zcol(j, cc):
                zbuf_v[i, pl.ds(j * LANES, LANES)] = zeros
                return cc
            return lax.fori_loop(0, D // LANES, zcol, carry)

        lax.fori_loop(0, ZR, zrow, None)
        for k in range(R // ZR):
            pltpu.sync_copy(zbuf_v, acc_sh.at[pl.ds(s * R + k * ZR, ZR)])

        pltpu.make_async_copy(
            src_hbm.at[pl.ds(wid * NCHK, NCHK)], src_v, si).wait()
        pltpu.make_async_copy(
            dst_hbm.at[pl.ds(wid * NCHK, NCHK)], dst_v, si).wait()

        plsc.subcore_barrier()

        H = CH // 2

        def gather(j, buf, sa, sb):
            pltpu.async_copy(
                y_hbm.at[src_v.at[j, pl.ds(0, H)]], buf.at[pl.ds(0, H)], sa)
            pltpu.async_copy(
                y_hbm.at[src_v.at[j, pl.ds(H, H)]], buf.at[pl.ds(H, H)], sb)

        def drain(buf, sa, sb):
            pltpu.make_async_copy(
                y_hbm.at[pl.ds(0, H)], buf.at[pl.ds(0, H)], sa).wait()
            pltpu.make_async_copy(
                y_hbm.at[pl.ds(0, H)], buf.at[pl.ds(H, H)], sb).wait()

        def scat(j, buf):
            pltpu.sync_copy(buf, acc_sh.at[dst_v.at[j]], add=True)

        gather(0, rows0_v, s0a, s0b)

        def pair_body(g, carry):
            gather(2 * g + 1, rows1_v, s1a, s1b)
            drain(rows0_v, s0a, s0b)
            scat(2 * g, rows0_v)
            gather(jnp.minimum(2 * g + 2, NCHK - 1), rows0_v, s0a, s0b)
            drain(rows1_v, s1a, s1b)
            scat(2 * g + 1, rows1_v)
            return carry

        lax.fori_loop(0, NCHK // 2, pair_body, None)
        drain(rows0_v, s0a, s0b)
        if NCHK % 2 == 1:
            scat(NCHK - 1, rows0_v)

        plsc.subcore_barrier()

        pltpu.sync_copy(acc_sh.at[pl.ds(s * R, R)], out_hbm.at[c, pl.ds(s * R, R)])

    return agg_kernel


def _make_final_kernel(N, D, BLK):
    def final_body(x_ref, acc_ref, r_ref, wl_ref, wh_ref, wm_ref,
                   al_ref, ah_ref, am_ref, att_ref, out_ref):
        r = r_ref[...]
        low = (acc_ref[0] + acc_ref[1]) * r
        x = x_ref[...]
        high = x - low
        lowW = jnp.maximum(
            jnp.dot(low, wl_ref[...], preferred_element_type=jnp.float32), 0.0)
        highW = jnp.maximum(
            jnp.dot(high, wh_ref[...], preferred_element_type=jnp.float32), 0.0)
        mlpW = jnp.maximum(
            jnp.dot(x, wm_ref[...], preferred_element_type=jnp.float32), 0.0)

        l0 = jnp.dot(lowW, al_ref[...], preferred_element_type=jnp.float32)
        l1 = jnp.dot(highW, ah_ref[...], preferred_element_type=jnp.float32)
        l2 = jnp.dot(mlpW, am_ref[...], preferred_element_type=jnp.float32)

        s0 = 1.0 / (1.0 + jnp.exp(-l0))
        s1 = 1.0 / (1.0 + jnp.exp(-l1))
        s2 = 1.0 / (1.0 + jnp.exp(-l2))

        T_inv = 1.0 / 3.0
        m0 = (s0 * att_ref[0, 0] + s1 * att_ref[1, 0] + s2 * att_ref[2, 0]) * T_inv
        m1 = (s0 * att_ref[0, 1] + s1 * att_ref[1, 1] + s2 * att_ref[2, 1]) * T_inv
        m2 = (s0 * att_ref[0, 2] + s1 * att_ref[1, 2] + s2 * att_ref[2, 2]) * T_inv

        mx = jnp.maximum(jnp.maximum(m0, m1), m2)
        e0 = jnp.exp(m0 - mx)
        e1 = jnp.exp(m1 - mx)
        e2 = jnp.exp(m2 - mx)
        den = e0 + e1 + e2

        out_ref[...] = 3.0 * ((e0 / den) * lowW + (e1 / den) * highW +
                              (e2 / den) * mlpW)

    return pl.pallas_call(
        final_body,
        grid=(N // BLK,),
        in_specs=[
            pl.BlockSpec((BLK, D), lambda i: (i, 0)),
            pl.BlockSpec((NC, BLK, D), lambda i: (0, i, 0)),
            pl.BlockSpec((BLK, 1), lambda i: (i, 0)),
            pl.BlockSpec((D, D), lambda i: (0, 0)),
            pl.BlockSpec((D, D), lambda i: (0, 0)),
            pl.BlockSpec((D, D), lambda i: (0, 0)),
            pl.BlockSpec((D, 1), lambda i: (0, 0)),
            pl.BlockSpec((D, 1), lambda i: (0, 0)),
            pl.BlockSpec((D, 1), lambda i: (0, 0)),
            pl.BlockSpec(memory_space=pltpu.SMEM),
        ],
        out_specs=pl.BlockSpec((BLK, D), lambda i: (i, 0)),
        out_shape=jax.ShapeDtypeStruct((N, D), jnp.float32),
    )


def kernel(x, edge_index, W_low, W_high, W_mlp, a_low, a_high, a_mlp, att_vec):
    N, D = x.shape
    E = edge_index.shape[1]
    CH = 80
    BLK = 2000

    src = edge_index[0]
    dst = edge_index[1]
    src_ch = src.reshape(E // CH, CH)
    dst_ch = dst.reshape(E // CH, CH)

    deg_p = _make_deg_kernel(N, E)(src).reshape(NW, N)
    deg_pt = deg_p.T

    y, r = _make_prep_kernel(N, D, BLK)(x, deg_pt)
    acc = _make_agg_kernel(N, E, D, CH)(y, src_ch, dst_ch)

    return _make_final_kernel(N, D, BLK)(
        x, acc, r, W_low, W_high, W_mlp, a_low, a_high, a_mlp, att_vec)

# --- scband reference (transcript-rebuilt; emitter-appended) ---
"""Pipeline reference for scband-acmgcnmodule-83459804496280 (READ-ONLY COPY).

The authoritative reference and input builder live on the scoring server;
editing this copy changes nothing except your own understanding.
"""

import jax, jax.numpy as jnp
import numpy as np

N = 10000
E = 320000
D = 128


def setup_inputs(seed: int = 0) -> dict:
    key = jax.random.key(seed)
    ks = jax.random.split(key, 10)
    x = jax.random.normal(ks[0], (N, D), dtype=jnp.float32)
    edge_index = jax.random.randint(ks[1], (2, E), 0, N, dtype=jnp.int32)
    stdv = 1.0 / np.sqrt(D)
    std_att = 1.0  # att_vec_mlp.size(1) == 1
    std_att_vec = 1.0 / np.sqrt(3.0)
    W_low = jax.random.uniform(ks[2], (D, D), minval=-stdv, maxval=stdv, dtype=jnp.float32)
    W_high = jax.random.uniform(ks[3], (D, D), minval=-stdv, maxval=stdv, dtype=jnp.float32)
    W_mlp = jax.random.uniform(ks[4], (D, D), minval=-stdv, maxval=stdv, dtype=jnp.float32)
    a_low = jax.random.uniform(ks[5], (D, 1), minval=-std_att, maxval=std_att, dtype=jnp.float32)
    a_high = jax.random.uniform(ks[6], (D, 1), minval=-std_att, maxval=std_att, dtype=jnp.float32)
    a_mlp = jax.random.uniform(ks[7], (D, 1), minval=-std_att, maxval=std_att, dtype=jnp.float32)
    att_vec = jax.random.uniform(ks[8], (3, 3), minval=-std_att_vec, maxval=std_att_vec, dtype=jnp.float32)
    return {"x": x, "edge_index": edge_index, "W_low": W_low, "W_high": W_high,
            "W_mlp": W_mlp, "a_low": a_low, "a_high": a_high, "a_mlp": a_mlp,
            "att_vec": att_vec}


def reference(x, edge_index, W_low, W_high, W_mlp, a_low, a_high, a_mlp, att_vec):
    src = edge_index[0]
    dst = edge_index[1]
    # out_degrees: number of outgoing edges per node (counts in src row)
    degrees = jnp.bincount(src, length=N).astype(jnp.float32)
    # u_mul_v: per-edge product of src-degree and dst-degree
    degree_edge_products = degrees[src] * degrees[dst]
    norm_coefs = 1.0 / jnp.sqrt(degree_edge_products)
    # u_mul_e_sum: gather x at src, scale by edge weight, scatter-add to dst
    msgs = x[src] * norm_coefs[:, None]
    output_low = jax.ops.segment_sum(msgs, dst, num_segments=N)
    output_high = x - output_low
    output_low = jax.nn.relu(output_low @ W_low)
    output_high = jax.nn.relu(output_high @ W_high)
    output_mlp = jax.nn.relu(x @ W_mlp)
    T = 3.0
    logits = jnp.concatenate([output_low @ a_low, output_high @ a_high, output_mlp @ a_mlp], axis=1)
    att = jax.nn.softmax((jax.nn.sigmoid(logits) @ att_vec) / T, axis=1)
    att_low = att[:, 0][:, None]
    att_high = att[:, 1][:, None]
    att_mlp = att[:, 2][:, None]
    return 3.0 * (att_low * output_low + att_high * output_high + att_mlp * output_mlp)

if __name__ == "__main__":
    import jax
    _d = setup_inputs()
    print(jax.jit(kernel)(*tuple(_d.values())))

</pallas_src>

<mosaic_0001>
#map = affine_map<(d0, d1) -> (0)>
module attributes {stable_mosaic.version = 14 : i64} {
  func.func @deg_kernel(%arg0: i32, %arg1: i32, %arg2: memref<320000xi32, #tpu.memory_space<hbm>>, %arg3: memref<320000xf32, #tpu.memory_space<hbm>>, %arg4: memref<10000xf32, #tpu.memory_space<vmem>>, %arg5: memref<10000xi32, #tpu.memory_space<vmem>>) attributes {dimension_semantics = [#tpu.dimension_semantics<core_parallel>, #tpu.dimension_semantics<subcore_parallel>], iteration_bounds = array<i64: 2, 16>, scalar_prefetch = 0 : i64, scratch_operands = 2 : i64, tpu.core_type = #tpu.core_type<sc_vector_subcore>, window_params = [{transform_indices = #map}, {transform_indices = #map}]} {
    %mul3A = arith.constant 2 : i32
    %mul3A_0 = arith.muli %arg1, %mul3A : i32
    %add3A = arith.addi %mul3A_0, %arg0 : i32
    %broadcast_in_dim3A = arith.constant 0.000000e+00 : f32
    %broadcast_in_dim3A_1 = vector.broadcast %broadcast_in_dim3A : f32 to vector<16xf32>
    %scan3A = arith.constant 0 : i32
    %scan3A_2 = arith.constant 625 : i32
    %scan3A_3 = arith.addi %scan3A, %scan3A_2 : i32
    %scan3A_4 = arith.constant 1 : i32
    scf.for %scan3A_17 = %scan3A to %scan3A_3 step %scan3A_4  : i32 {
      %mul3A_18 = arith.constant 16 : i32
      %mul3A_19 = arith.muli %scan3A_17, %mul3A_18 : i32
      %swap3A = arith.index_cast %mul3A_19 : i32 to index
      %swap3A_20 = tpu.vector_load %arg4[%swap3A] {strides = array<i32>} : memref<10000xf32, #tpu.memory_space<vmem>>, vector<16xf32>,
      tpu.vector_store %arg4[%swap3A], %broadcast_in_dim3A_1 {strides = array<i32>} : memref<10000xf32, #tpu.memory_space<vmem>>, vector<16xf32>,
    }
    %scan3A_5 = arith.constant 625 : i32
    %mul3A_6 = arith.constant 10000 : i32
    %mul3A_7 = arith.muli %add3A, %mul3A_6 : i32
    "tpu.region"() ({
      %run_scoped3A = tpu.sem_alloc : memref<!tpu.dma_semaphore, #tpu.memory_space<semaphore_mem>>
      %dma_start3A = tpu.memref_slice %arg2[%mul3A_7] : memref<320000xi32, #tpu.memory_space<hbm>> -> memref<10000xi32, #tpu.memory_space<hbm>>
      %dma_start3A_17 = tpu.memref_slice %arg2[%mul3A_7] : memref<320000xi32, #tpu.memory_space<hbm>> -> memref<10000xi32, #tpu.memory_space<hbm>>
      tpu.enqueue_dma source(%dma_start3A_17 : memref<10000xi32, #tpu.memory_space<hbm>>) target(%arg5 : memref<10000xi32, #tpu.memory_space<vmem>>) target_semaphore(%run_scoped3A : memref<!tpu.dma_semaphore, #tpu.memory_space<semaphore_mem>>)
      %dma_wait3A = tpu.memref_slice %arg2[%mul3A_7] : memref<320000xi32, #tpu.memory_space<hbm>> -> memref<10000xi32, #tpu.memory_space<hbm>>
      %dma_wait3A_18 = tpu.memref_slice %arg2[%mul3A_7] : memref<320000xi32, #tpu.memory_space<hbm>> -> memref<10000xi32, #tpu.memory_space<hbm>>
      tpu.wait_dma2 semaphore(%run_scoped3A : memref<!tpu.dma_semaphore, #tpu.memory_space<semaphore_mem>>) src(%dma_wait3A_18 : memref<10000xi32, #tpu.memory_space<hbm>>) dst(%arg5 : memref<10000xi32, #tpu.memory_space<vmem>>)
      tpu.yield
    }) : () -> ()
    %broadcast_in_dim3A_8 = arith.constant 1.000000e+00 : f32
    %broadcast_in_dim3A_9 = vector.broadcast %broadcast_in_dim3A_8 : f32 to vector<16xf32>
    %scan3A_10 = arith.constant 0 : i32
    %scan3A_11 = arith.constant 625 : i32
    %scan3A_12 = arith.addi %scan3A_10, %scan3A_11 : i32
    %scan3A_13 = arith.constant 1 : i32
    scf.for %scan3A_17 = %scan3A_10 to %scan3A_12 step %scan3A_13  : i32 {
      %mul3A_18 = arith.constant 16 : i32
      %mul3A_19 = arith.muli %scan3A_17, %mul3A_18 : i32
      %get3A = arith.index_cast %mul3A_19 : i32 to index
      %get3A_20 = tpu.vector_load %arg5[%get3A] {strides = array<i32>} : memref<10000xi32, #tpu.memory_space<vmem>>, vector<16xi32>,
      tpu.vector_store_idx %arg4[%get3A_20], %broadcast_in_dim3A_9 {add = true} : memref<10000xf32, #tpu.memory_space<vmem>>[vector<16xi32>], vector<16xf32>,
    }
    %scan3A_14 = arith.constant 625 : i32
    %mul3A_15 = arith.constant 10000 : i32
    %mul3A_16 = arith.muli %add3A, %mul3A_15 : i32
    "tpu.region"() ({
      %run_scoped3A = tpu.sem_alloc : memref<!tpu.dma_semaphore, #tpu.memory_space<semaphore_mem>>
      %dma_start3A = tpu.memref_slice %arg3[%mul3A_16] : memref<320000xf32, #tpu.memory_space<hbm>> -> memref<10000xf32, #tpu.memory_space<hbm>>
      %dma_start3A_17 = tpu.memref_slice %arg3[%mul3A_16] : memref<320000xf32, #tpu.memory_space<hbm>> -> memref<10000xf32, #tpu.memory_space<hbm>>
      tpu.enqueue_dma source(%arg4 : memref<10000xf32, #tpu.memory_space<vmem>>) target(%dma_start3A_17 : memref<10000xf32, #tpu.memory_space<hbm>>) target_semaphore(%run_scoped3A : memref<!tpu.dma_semaphore, #tpu.memory_space<semaphore_mem>>)
      %dma_wait3A = tpu.memref_slice %arg3[%mul3A_16] : memref<320000xf32, #tpu.memory_space<hbm>> -> memref<10000xf32, #tpu.memory_space<hbm>>
      %dma_wait3A_18 = tpu.memref_slice %arg3[%mul3A_16] : memref<320000xf32, #tpu.memory_space<hbm>> -> memref<10000xf32, #tpu.memory_space<hbm>>
      tpu.wait_dma2 semaphore(%run_scoped3A : memref<!tpu.dma_semaphore, #tpu.memory_space<semaphore_mem>>) src(%arg4 : memref<10000xf32, #tpu.memory_space<vmem>>) dst(%dma_wait3A_18 : memref<10000xf32, #tpu.memory_space<hbm>>)
      tpu.yield
    }) : () -> ()
    return
  }
}

#map = affine_map<(d0, d1) -> (0, 0)>
#map1 = affine_map<(d0, d1) -> (0, 0, 0)>
module attributes {stable_mosaic.version = 14 : i64} {
  func.func @agg_kernel(%arg0: i32, %arg1: i32, %arg2: memref<10000x128xf32, #tpu.memory_space<hbm>>, %arg3: memref<4000x80xi32, #tpu.memory_space<hbm>>, %arg4: memref<4000x80xi32, #tpu.memory_space<hbm>>, %arg5: memref<2x10000x128xf32, #tpu.memory_space<hbm>>, %arg6: memref<125x80xi32, #tpu.memory_space<vmem>>, %arg7: memref<125x80xi32, #tpu.memory_space<vmem>>, %arg8: memref<80x128xf32, #tpu.memory_space<vmem>>, %arg9: memref<80x128xf32, #tpu.memory_space<vmem>>, %arg10: memref<25x128xf32, #tpu.memory_space<vmem>>, %arg11: memref<10000x128xf32, #tpu.memory_space<vmem_shared>>, %arg12: memref<!tpu.dma_semaphore, #tpu.memory_space<semaphore_mem>>, %arg13: memref<!tpu.dma_semaphore, #tpu.memory_space<semaphore_mem>>, %arg14: memref<!tpu.dma_semaphore, #tpu.memory_space<semaphore_mem>>, %arg15: memref<!tpu.dma_semaphore, #tpu.memory_space<semaphore_mem>>, %arg16: memref<!tpu.dma_semaphore, #tpu.memory_space<semaphore_mem>>) attributes {dimension_semantics = [#tpu.dimension_semantics<core_parallel>, #tpu.dimension_semantics<subcore_parallel>], iteration_bounds = array<i64: 2, 16>, scalar_prefetch = 0 : i64, scratch_operands = 11 : i64, tpu.core_type = #tpu.core_type<sc_vector_subcore>, window_params = [{transform_indices = #map}, {transform_indices = #map}, {transform_indices = #map}, {transform_indices = #map1}]} {
    %mul3A = arith.constant 2 : i32
    %mul3A_0 = arith.muli %arg1, %mul3A : i32
    %add3A = arith.addi %mul3A_0, %arg0 : i32
    %mul3A_1 = arith.constant 125 : i32
    %mul3A_2 = arith.muli %add3A, %mul3A_1 : i32
    %dma_start3A = arith.constant 0 : i32
    %dma_start3A_3 = tpu.memref_slice %arg3[%mul3A_2, %dma_start3A] : memref<4000x80xi32, #tpu.memory_space<hbm>> -> memref<125x80xi32, #tpu.memory_space<hbm>>
    %dma_start3A_4 = arith.constant 0 : i32
    %dma_start3A_5 = tpu.memref_slice %arg3[%mul3A_2, %dma_start3A_4] : memref<4000x80xi32, #tpu.memory_space<hbm>> -> memref<125x80xi32, #tpu.memory_space<hbm>>
    tpu.enqueue_dma source(%dma_start3A_5 : memref<125x80xi32, #tpu.memory_space<hbm>>) target(%arg6 : memref<125x80xi32, #tpu.memory_space<vmem>>) target_semaphore(%arg16 : memref<!tpu.dma_semaphore, #tpu.memory_space<semaphore_mem>>)
    %mul3A_6 = arith.constant 125 : i32
    %mul3A_7 = arith.muli %add3A, %mul3A_6 : i32
    %dma_start3A_8 = arith.constant 0 : i32
    %dma_start3A_9 = tpu.memref_slice %arg4[%mul3A_7, %dma_start3A_8] : memref<4000x80xi32, #tpu.memory_space<hbm>> -> memref<125x80xi32, #tpu.memory_space<hbm>>
    %dma_start3A_10 = arith.constant 0 : i32
    %dma_start3A_11 = tpu.memref_slice %arg4[%mul3A_7, %dma_start3A_10] : memref<4000x80xi32, #tpu.memory_space<hbm>> -> memref<125x80xi32, #tpu.memory_space<hbm>>
    tpu.enqueue_dma source(%dma_start3A_11 : memref<125x80xi32, #tpu.memory_space<hbm>>) target(%arg7 : memref<125x80xi32, #tpu.memory_space<vmem>>) target_semaphore(%arg16 : memref<!tpu.dma_semaphore, #tpu.memory_space<semaphore_mem>>)
    %broadcast_in_dim3A = arith.constant 0.000000e+00 : f32
    %broadcast_in_dim3A_12 = vector.broadcast %broadcast_in_dim3A : f32 to vector<16xf32>
    %scan3A = arith.constant 0 : i32
    %scan3A_13 = arith.constant 25 : i32
    %scan3A_14 = arith.addi %scan3A, %scan3A_13 : i32
    %scan3A_15 = arith.constant 1 : i32
    scf.for %scan3A_182 = %scan3A to %scan3A_14 step %scan3A_15  : i32 {
      %scan3A_183 = arith.constant 0 : i32
      %scan3A_184 = arith.constant 8 : i32
      %scan3A_185 = arith.addi %scan3A_183, %scan3A_184 : i32
      %scan3A_186 = arith.constant 1 : i32
      scf.for %scan3A_188 = %scan3A_183 to %scan3A_185 step %scan3A_186  : i32 {
        %mul3A_189 = arith.constant 16 : i32
        %mul3A_190 = arith.muli %scan3A_188, %mul3A_189 : i32
        %swap3A = arith.index_cast %scan3A_182 : i32 to index
        %swap3A_191 = arith.index_cast %mul3A_190 : i32 to index
        %swap3A_192 = tpu.vector_load %arg10[%swap3A, %swap3A_191] {strides = array<i32>} : memref<25x128xf32, #tpu.memory_space<vmem>>, vector<16xf32>,
        tpu.vector_store %arg10[%swap3A, %swap3A_191], %broadcast_in_dim3A_12 {strides = array<i32>} : memref<25x128xf32, #tpu.memory_space<vmem>>, vector<16xf32>,
      }
      %scan3A_187 = arith.constant 8 : i32
    }
    %scan3A_16 = arith.constant 25 : i32
    %mul3A_17 = arith.constant 625 : i32
    %mul3A_18 = arith.muli %arg1, %mul3A_17 : i32
    %add3A_19 = arith.constant 0 : i32
    %add3A_20 = arith.addi %mul3A_18, %add3A_19 : i32
    "tpu.region"() ({
      %run_scoped3A_182 = tpu.sem_alloc : memref<!tpu.dma_semaphore, #tpu.memory_space<semaphore_mem>>
      %dma_start3A_183 = arith.constant 0 : i32
      %dma_start3A_184 = tpu.memref_slice %arg11[%add3A_20, %dma_start3A_183] : memref<10000x128xf32, #tpu.memory_space<vmem_shared>> -> memref<25x128xf32, #tpu.memory_space<vmem_shared>>
      %dma_start3A_185 = arith.constant 0 : i32
      %dma_start3A_186 = tpu.memref_slice %arg11[%add3A_20, %dma_start3A_185] : memref<10000x128xf32, #tpu.memory_space<vmem_shared>> -> memref<25x128xf32, #tpu.memory_space<vmem_shared>>
      tpu.enqueue_dma source(%arg10 : memref<25x128xf32, #tpu.memory_space<vmem>>) target(%dma_start3A_186 : memref<25x128xf32, #tpu.memory_space<vmem_shared>>) target_semaphore(%run_scoped3A_182 : memref<!tpu.dma_semaphore, #tpu.memory_space<semaphore_mem>>)
      %dma_wait3A_187 = arith.constant 0 : i32
      %dma_wait3A_188 = tpu.memref_slice %arg11[%add3A_20, %dma_wait3A_187] : memref<10000x128xf32, #tpu.memory_space<vmem_shared>> -> memref<25x128xf32, #tpu.memory_space<vmem_shared>>
      %dma_wait3A_189 = arith.constant 0 : i32
      %dma_wait3A_190 = tpu.memref_slice %arg11[%add3A_20, %dma_wait3A_189] : memref<10000x128xf32, #tpu.memory_space<vmem_shared>> -> memref<25x128xf32, #tpu.memory_space<vmem_shared>>
      tpu.wait_dma2 semaphore(%run_scoped3A_182 : memref<!tpu.dma_semaphore, #tpu.memory_space<semaphore_mem>>) src(%arg10 : memref<25x128xf32, #tpu.memory_space<vmem>>) dst(%dma_wait3A_190 : memref<25x128xf32, #tpu.memory_space<vmem_shared>>)
      tpu.yield
    }) : () -> ()
    %mul3A_21 = arith.constant 625 : i32
    %mul3A_22 = arith.muli %arg1, %mul3A_21 : i32
    %add3A_23 = arith.constant 25 : i32
    %add3A_24 = arith.addi %mul3A_22, %add3A_23 : i32
    "tpu.region"() ({
      %run_scoped3A_182 = tpu.sem_alloc : memref<!tpu.dma_semaphore, #tpu.memory_space<semaphore_mem>>
      %dma_start3A_183 = arith.constant 0 : i32
      %dma_start3A_184 = tpu.memref_slice %arg11[%add3A_24, %dma_start3A_183] : memref<10000x128xf32, #tpu.memory_space<vmem_shared>> -> memref<25x128xf32, #tpu.memory_space<vmem_shared>>
      %dma_start3A_185 = arith.constant 0 : i32
      %dma_start3A_186 = tpu.memref_slice %arg11[%add3A_24, %dma_start3A_185] : memref<10000x128xf32, #tpu.memory_space<vmem_shared>> -> memref<25x128xf32, #tpu.memory_space<vmem_shared>>
      tpu.enqueue_dma source(%arg10 : memref<25x128xf32, #tpu.memory_space<vmem>>) target(%dma_start3A_186 : memref<25x128xf32, #tpu.memory_space<vmem_shared>>) target_semaphore(%run_scoped3A_182 : memref<!tpu.dma_semaphore, #tpu.memory_space<semaphore_mem>>)
      %dma_wait3A_187 = arith.constant 0 : i32
      %dma_wait3A_188 = tpu.memref_slice %arg11[%add3A_24, %dma_wait3A_187] : memref<10000x128xf32, #tpu.memory_space<vmem_shared>> -> memref<25x128xf32, #tpu.memory_space<vmem_shared>>
      %dma_wait3A_189 = arith.constant 0 : i32
      %dma_wait3A_190 = tpu.memref_slice %arg11[%add3A_24, %dma_wait3A_189] : memref<10000x128xf32, #tpu.memory_space<vmem_shared>> -> memref<25x128xf32, #tpu.memory_space<vmem_shared>>
      tpu.wait_dma2 semaphore(%run_scoped3A_182 : memref<!tpu.dma_semaphore, #tpu.memory_space<semaphore_mem>>) src(%arg10 : memref<25x128xf32, #tpu.memory_space<vmem>>) dst(%dma_wait3A_190 : memref<25x128xf32, #tpu.memory_space<vmem_shared>>)
      tpu.yield
    }) : () -> ()
    %mul3A_25 = arith.constant 625 : i32
    %mul3A_26 = arith.muli %arg1, %mul3A_25 : i32
    %add3A_27 = arith.constant 50 : i32
    %add3A_28 = arith.addi %mul3A_26, %add3A_27 : i32
    "tpu.region"() ({
      %run_scoped3A_182 = tpu.sem_alloc : memref<!tpu.dma_semaphore, #tpu.memory_space<semaphore_mem>>
      %dma_start3A_183 = arith.constant 0 : i32
      %dma_start3A_184 = tpu.memref_slice %arg11[%add3A_28, %dma_start3A_183] : memref<10000x128xf32, #tpu.memory_space<vmem_shared>> -> memref<25x128xf32, #tpu.memory_space<vmem_shared>>
      %dma_start3A_185 = arith.constant 0 : i32
      %dma_start3A_186 = tpu.memref_slice %arg11[%add3A_28, %dma_start3A_185] : memref<10000x128xf32, #tpu.memory_space<vmem_shared>> -> memref<25x128xf32, #tpu.memory_space<vmem_shared>>
      tpu.enqueue_dma source(%arg10 : memref<25x128xf32, #tpu.memory_space<vmem>>) target(%dma_start3A_186 : memref<25x128xf32, #tpu.memory_space<vmem_shared>>) target_semaphore(%run_scoped3A_182 : memref<!tpu.dma_semaphore, #tpu.memory_space<semaphore_mem>>)
      %dma_wait3A_187 = arith.constant 0 : i32
      %dma_wait3A_188 = tpu.memref_slice %arg11[%add3A_28, %dma_wait3A_187] : memref<10000x128xf32, #tpu.memory_space<vmem_shared>> -> memref<25x128xf32, #tpu.memory_space<vmem_shared>>
      %dma_wait3A_189 = arith.constant 0 : i32
      %dma_wait3A_190 = tpu.memref_slice %arg11[%add3A_28, %dma_wait3A_189] : memref<10000x128xf32, #tpu.memory_space<vmem_shared>> -> memref<25x128xf32, #tpu.memory_space<vmem_shared>>
      tpu.wait_dma2 semaphore(%run_scoped3A_182 : memref<!tpu.dma_semaphore, #tpu.memory_space<semaphore_mem>>) src(%arg10 : memref<25x128xf32, #tpu.memory_space<vmem>>) dst(%dma_wait3A_190 : memref<25x128xf32, #tpu.memory_space<vmem_shared>>)
      tpu.yield
    }) : () -> ()
    %mul3A_29 = arith.constant 625 : i32
    %mul3A_30 = arith.muli %arg1, %mul3A_29 : i32
    %add3A_31 = arith.constant 75 : i32
    %add3A_32 = arith.addi %mul3A_30, %add3A_31 : i32
    "tpu.region"() ({
      %run_scoped3A_182 = tpu.sem_alloc : memref<!tpu.dma_semaphore, #tpu.memory_space<semaphore_mem>>
      %dma_start3A_183 = arith.constant 0 : i32
      %dma_start3A_184 = tpu.memref_slice %arg11[%add3A_32, %dma_start3A_183] : memref<10000x128xf32, #tpu.memory_space<vmem_shared>> -> memref<25x128xf32, #tpu.memory_space<vmem_shared>>
      %dma_start3A_185 = arith.constant 0 : i32
      %dma_start3A_186 = tpu.memref_slice %arg11[%add3A_32, %dma_start3A_185] : memref<10000x128xf32, #tpu.memory_space<vmem_shared>> -> memref<25x128xf32, #tpu.memory_space<vmem_shared>>
      tpu.enqueue_dma source(%arg10 : memref<25x128xf32, #tpu.memory_space<vmem>>) target(%dma_start3A_186 : memref<25x128xf32, #tpu.memory_space<vmem_shared>>) target_semaphore(%run_scoped3A_182 : memref<!tpu.dma_semaphore, #tpu.memory_space<semaphore_mem>>)
      %dma_wait3A_187 = arith.constant 0 : i32
      %dma_wait3A_188 = tpu.memref_slice %arg11[%add3A_32, %dma_wait3A_187] : memref<10000x128xf32, #tpu.memory_space<vmem_shared>> -> memref<25x128xf32, #tpu.memory_space<vmem_shared>>
      %dma_wait3A_189 = arith.constant 0 : i32
      %dma_wait3A_190 = tpu.memref_slice %arg11[%add3A_32, %dma_wait3A_189] : memref<10000x128xf32, #tpu.memory_space<vmem_shared>> -> memref<25x128xf32, #tpu.memory_space<vmem_shared>>
      tpu.wait_dma2 semaphore(%run_scoped3A_182 : memref<!tpu.dma_semaphore, #tpu.memory_space<semaphore_mem>>) src(%arg10 : memref<25x128xf32, #tpu.memory_space<vmem>>) dst(%dma_wait3A_190 : memref<25x128xf32, #tpu.memory_space<vmem_shared>>)
      tpu.yield
    }) : () -> ()
    %mul3A_33 = arith.constant 625 : i32
    %mul3A_34 = arith.muli %arg1, %mul3A_33 : i32
    %add3A_35 = arith.constant 100 : i32
    %add3A_36 = arith.addi %mul3A_34, %add3A_35 : i32
    "tpu.region"() ({
      %run_scoped3A_182 = tpu.sem_alloc : memref<!tpu.dma_semaphore, #tpu.memory_space<semaphore_mem>>
      %dma_start3A_183 = arith.constant 0 : i32
      %dma_start3A_184 = tpu.memref_slice %arg11[%add3A_36, %dma_start3A_183] : memref<10000x128xf32, #tpu.memory_space<vmem_shared>> -> memref<25x128xf32, #tpu.memory_space<vmem_shared>>
      %dma_start3A_185 = arith.constant 0 : i32
      %dma_start3A_186 = tpu.memref_slice %arg11[%add3A_36, %dma_start3A_185] : memref<10000x128xf32, #tpu.memory_space<vmem_shared>> -> memref<25x128xf32, #tpu.memory_space<vmem_shared>>
      tpu.enqueue_dma source(%arg10 : memref<25x128xf32, #tpu.memory_space<vmem>>) target(%dma_start3A_186 : memref<25x128xf32, #tpu.memory_space<vmem_shared>>) target_semaphore(%run_scoped3A_182 : memref<!tpu.dma_semaphore, #tpu.memory_space<semaphore_mem>>)
      %dma_wait3A_187 = arith.constant 0 : i32
      %dma_wait3A_188 = tpu.memref_slice %arg11[%add3A_36, %dma_wait3A_187] : memref<10000x128xf32, #tpu.memory_space<vmem_shared>> -> memref<25x128xf32, #tpu.memory_space<vmem_shared>>
      %dma_wait3A_189 = arith.constant 0 : i32
      %dma_wait3A_190 = tpu.memref_slice %arg11[%add3A_36, %dma_wait3A_189] : memref<10000x128xf32, #tpu.memory_space<vmem_shared>> -> memref<25x128xf32, #tpu.memory_space<vmem_shared>>
      tpu.wait_dma2 semaphore(%run_scoped3A_182 : memref<!tpu.dma_semaphore, #tpu.memory_space<semaphore_mem>>) src(%arg10 : memref<25x128xf32, #tpu.memory_space<vmem>>) dst(%dma_wait3A_190 : memref<25x128xf32, #tpu.memory_space<vmem_shared>>)
      tpu.yield
    }) : () -> ()
    %mul3A_37 = arith.constant 625 : i32
    %mul3A_38 = arith.muli %arg1, %mul3A_37 : i32
    %add3A_39 = arith.constant 125 : i32
    %add3A_40 = arith.addi %mul3A_38, %add3A_39 : i32
    "tpu.region"() ({
      %run_scoped3A_182 = tpu.sem_alloc : memref<!tpu.dma_semaphore, #tpu.memory_space<semaphore_mem>>
      %dma_start3A_183 = arith.constant 0 : i32
      %dma_start3A_184 = tpu.memref_slice %arg11[%add3A_40, %dma_start3A_183] : memref<10000x128xf32, #tpu.memory_space<vmem_shared>> -> memref<25x128xf32, #tpu.memory_space<vmem_shared>>
      %dma_start3A_185 = arith.constant 0 : i32
      %dma_start3A_186 = tpu.memref_slice %arg11[%add3A_40, %dma_start3A_185] : memref<10000x128xf32, #tpu.memory_space<vmem_shared>> -> memref<25x128xf32, #tpu.memory_space<vmem_shared>>
      tpu.enqueue_dma source(%arg10 : memref<25x128xf32, #tpu.memory_space<vmem>>) target(%dma_start3A_186 : memref<25x128xf32, #tpu.memory_space<vmem_shared>>) target_semaphore(%run_scoped3A_182 : memref<!tpu.dma_semaphore, #tpu.memory_space<semaphore_mem>>)
      %dma_wait3A_187 = arith.constant 0 : i32
      %dma_wait3A_188 = tpu.memref_slice %arg11[%add3A_40, %dma_wait3A_187] : memref<10000x128xf32, #tpu.memory_space<vmem_shared>> -> memref<25x128xf32, #tpu.memory_space<vmem_shared>>
      %dma_wait3A_189 = arith.constant 0 : i32
      %dma_wait3A_190 = tpu.memref_slice %arg11[%add3A_40, %dma_wait3A_189] : memref<10000x128xf32, #tpu.memory_space<vmem_shared>> -> memref<25x128xf32, #tpu.memory_space<vmem_shared>>
      tpu.wait_dma2 semaphore(%run_scoped3A_182 : memref<!tpu.dma_semaphore, #tpu.memory_space<semaphore_mem>>) src(%arg10 : memref<25x128xf32, #tpu.memory_space<vmem>>) dst(%dma_wait3A_190 : memref<25x128xf32, #tpu.memory_space<vmem_shared>>)
      tpu.yield
    }) : () -> ()
    %mul3A_41 = arith.constant 625 : i32
    %mul3A_42 = arith.muli %arg1, %mul3A_41 : i32
    %add3A_43 = arith.constant 150 : i32
    %add3A_44 = arith.addi %mul3A_42, %add3A_43 : i32
    "tpu.region"() ({
      %run_scoped3A_182 = tpu.sem_alloc : memref<!tpu.dma_semaphore, #tpu.memory_space<semaphore_mem>>
      %dma_start3A_183 = arith.constant 0 : i32
      %dma_start3A_184 = tpu.memref_slice %arg11[%add3A_44, %dma_start3A_183] : memref<10000x128xf32, #tpu.memory_space<vmem_shared>> -> memref<25x128xf32, #tpu.memory_space<vmem_shared>>
      %dma_start3A_185 = arith.constant 0 : i32
      %dma_start3A_186 = tpu.memref_slice %arg11[%add3A_44, %dma_start3A_185] : memref<10000x128xf32, #tpu.memory_space<vmem_shared>> -> memref<25x128xf32, #tpu.memory_space<vmem_shared>>
      tpu.enqueue_dma source(%arg10 : memref<25x128xf32, #tpu.memory_space<vmem>>) target(%dma_start3A_186 : memref<25x128xf32, #tpu.memory_space<vmem_shared>>) target_semaphore(%run_scoped3A_182 : memref<!tpu.dma_semaphore, #tpu.memory_space<semaphore_mem>>)
      %dma_wait3A_187 = arith.constant 0 : i32
      %dma_wait3A_188 = tpu.memref_slice %arg11[%add3A_44, %dma_wait3A_187] : memref<10000x128xf32, #tpu.memory_space<vmem_shared>> -> memref<25x128xf32, #tpu.memory_space<vmem_shared>>
      %dma_wait3A_189 = arith.constant 0 : i32
      %dma_wait3A_190 = tpu.memref_slice %arg11[%add3A_44, %dma_wait3A_189] : memref<10000x128xf32, #tpu.memory_space<vmem_shared>> -> memref<25x128xf32, #tpu.memory_space<vmem_shared>>
      tpu.wait_dma2 semaphore(%run_scoped3A_182 : memref<!tpu.dma_semaphore, #tpu.memory_space<semaphore_mem>>) src(%arg10 : memref<25x128xf32, #tpu.memory_space<vmem>>) dst(%dma_wait3A_190 : memref<25x128xf32, #tpu.memory_space<vmem_shared>>)
      tpu.yield
    }) : () -> ()
    %mul3A_45 = arith.constant 625 : i32
    %mul3A_46 = arith.muli %arg1, %mul3A_45 : i32
    %add3A_47 = arith.constant 175 : i32
    %add3A_48 = arith.addi %mul3A_46, %add3A_47 : i32
    "tpu.region"() ({
      %run_scoped3A_182 = tpu.sem_alloc : memref<!tpu.dma_semaphore, #tpu.memory_space<semaphore_mem>>
      %dma_start3A_183 = arith.constant 0 : i32
      %dma_start3A_184 = tpu.memref_slice %arg11[%add3A_48, %dma_start3A_183] : memref<10000x128xf32, #tpu.memory_space<vmem_shared>> -> memref<25x128xf32, #tpu.memory_space<vmem_shared>>
      %dma_start3A_185 = arith.constant 0 : i32
      %dma_start3A_186 = tpu.memref_slice %arg11[%add3A_48, %dma_start3A_185] : memref<10000x128xf32, #tpu.memory_space<vmem_shared>> -> memref<25x128xf32, #tpu.memory_space<vmem_shared>>
      tpu.enqueue_dma source(%arg10 : memref<25x128xf32, #tpu.memory_space<vmem>>) target(%dma_start3A_186 : memref<25x128xf32, #tpu.memory_space<vmem_shared>>) target_semaphore(%run_scoped3A_182 : memref<!tpu.dma_semaphore, #tpu.memory_space<semaphore_mem>>)
      %dma_wait3A_187 = arith.constant 0 : i32
      %dma_wait3A_188 = tpu.memref_slice %arg11[%add3A_48, %dma_wait3A_187] : memref<10000x128xf32, #tpu.memory_space<vmem_shared>> -> memref<25x128xf32, #tpu.memory_space<vmem_shared>>
      %dma_wait3A_189 = arith.constant 0 : i32
      %dma_wait3A_190 = tpu.memref_slice %arg11[%add3A_48, %dma_wait3A_189] : memref<10000x128xf32, #tpu.memory_space<vmem_shared>> -> memref<25x128xf32, #tpu.memory_space<vmem_shared>>
      tpu.wait_dma2 semaphore(%run_scoped3A_182 : memref<!tpu.dma_semaphore, #tpu.memory_space<semaphore_mem>>) src(%arg10 : memref<25x128xf32, #tpu.memory_space<vmem>>) dst(%dma_wait3A_190 : memref<25x128xf32, #tpu.memory_space<vmem_shared>>)
      tpu.yield
    }) : () -> ()
    %mul3A_49 = arith.constant 625 : i32
    %mul3A_50 = arith.muli %arg1, %mul3A_49 : i32
    %add3A_51 = arith.constant 200 : i32
    %add3A_52 = arith.addi %mul3A_50, %add3A_51 : i32
    "tpu.region"() ({
      %run_scoped3A_182 = tpu.sem_alloc : memref<!tpu.dma_semaphore, #tpu.memory_space<semaphore_mem>>
      %dma_start3A_183 = arith.constant 0 : i32
      %dma_start3A_184 = tpu.memref_slice %arg11[%add3A_52, %dma_start3A_183] : memref<10000x128xf32, #tpu.memory_space<vmem_shared>> -> memref<25x128xf32, #tpu.memory_space<vmem_shared>>
      %dma_start3A_185 = arith.constant 0 : i32
      %dma_start3A_186 = tpu.memref_slice %arg11[%add3A_52, %dma_start3A_185] : memref<10000x128xf32, #tpu.memory_space<vmem_shared>> -> memref<25x128xf32, #tpu.memory_space<vmem_shared>>
      tpu.enqueue_dma source(%arg10 : memref<25x128xf32, #tpu.memory_space<vmem>>) target(%dma_start3A_186 : memref<25x128xf32, #tpu.memory_space<vmem_shared>>) target_semaphore(%run_scoped3A_182 : memref<!tpu.dma_semaphore, #tpu.memory_space<semaphore_mem>>)
      %dma_wait3A_187 = arith.constant 0 : i32
      %dma_wait3A_188 = tpu.memref_slice %arg11[%add3A_52, %dma_wait3A_187] : memref<10000x128xf32, #tpu.memory_space<vmem_shared>> -> memref<25x128xf32, #tpu.memory_space<vmem_shared>>
      %dma_wait3A_189 = arith.constant 0 : i32
      %dma_wait3A_190 = tpu.memref_slice %arg11[%add3A_52, %dma_wait3A_189] : memref<10000x128xf32, #tpu.memory_space<vmem_shared>> -> memref<25x128xf32, #tpu.memory_space<vmem_shared>>
      tpu.wait_dma2 semaphore(%run_scoped3A_182 : memref<!tpu.dma_semaphore, #tpu.memory_space<semaphore_mem>>) src(%arg10 : memref<25x128xf32, #tpu.memory_space<vmem>>) dst(%dma_wait3A_190 : memref<25x128xf32, #tpu.memory_space<vmem_shared>>)
      tpu.yield
    }) : () -> ()
    %mul3A_53 = arith.constant 625 : i32
    %mul3A_54 = arith.muli %arg1, %mul3A_53 : i32
    %add3A_55 = arith.constant 225 : i32
    %add3A_56 = arith.addi %mul3A_54, %add3A_55 : i32
    "tpu.region"() ({
      %run_scoped3A_182 = tpu.sem_alloc : memref<!tpu.dma_semaphore, #tpu.memory_space<semaphore_mem>>
      %dma_start3A_183 = arith.constant 0 : i32
      %dma_start3A_184 = tpu.memref_slice %arg11[%add3A_56, %dma_start3A_183] : memref<10000x128xf32, #tpu.memory_space<vmem_shared>> -> memref<25x128xf32, #tpu.memory_space<vmem_shared>>
      %dma_start3A_185 = arith.constant 0 : i32
      %dma_start3A_186 = tpu.memref_slice %arg11[%add3A_56, %dma_start3A_185] : memref<10000x128xf32, #tpu.memory_space<vmem_shared>> -> memref<25x128xf32, #tpu.memory_space<vmem_shared>>
      tpu.enqueue_dma source(%arg10 : memref<25x128xf32, #tpu.memory_space<vmem>>) target(%dma_start3A_186 : memref<25x128xf32, #tpu.memory_space<vmem_shared>>) target_semaphore(%run_scoped3A_182 : memref<!tpu.dma_semaphore, #tpu.memory_space<semaphore_mem>>)
      %dma_wait3A_187 = arith.constant 0 : i32
      %dma_wait3A_188 = tpu.memref_slice %arg11[%add3A_56, %dma_wait3A_187] : memref<10000x128xf32, #tpu.memory_space<vmem_shared>> -> memref<25x128xf32, #tpu.memory_space<vmem_shared>>
      %dma_wait3A_189 = arith.constant 0 : i32
      %dma_wait3A_190 = tpu.memref_slice %arg11[%add3A_56, %dma_wait3A_189] : memref<10000x128xf32, #tpu.memory_space<vmem_shared>> -> memref<25x128xf32, #tpu.memory_space<vmem_shared>>
      tpu.wait_dma2 semaphore(%run_scoped3A_182 : memref<!tpu.dma_semaphore, #tpu.memory_space<semaphore_mem>>) src(%arg10 : memref<25x128xf32, #tpu.memory_space<vmem>>) dst(%dma_wait3A_190 : memref<25x128xf32, #tpu.memory_space<vmem_shared>>)
      tpu.yield
    }) : () -> ()
    %mul3A_57 = arith.constant 625 : i32
    %mul3A_58 = arith.muli %arg1, %mul3A_57 : i32
    %add3A_59 = arith.constant 250 : i32
    %add3A_60 = arith.addi %mul3A_58, %add3A_59 : i32
    "tpu.region"() ({
      %run_scoped3A_182 = tpu.sem_alloc : memref<!tpu.dma_semaphore, #tpu.memory_space<semaphore_mem>>
      %dma_start3A_183 = arith.constant 0 : i32
      %dma_start3A_184 = tpu.memref_slice %arg11[%add3A_60, %dma_start3A_183] : memref<10000x128xf32, #tpu.memory_space<vmem_shared>> -> memref<25x128xf32, #tpu.memory_space<vmem_shared>>
      %dma_start3A_185 = arith.constant 0 : i32
      %dma_start3A_186 = tpu.memref_slice %arg11[%add3A_60, %dma_start3A_185] : memref<10000x128xf32, #tpu.memory_space<vmem_shared>> -> memref<25x128xf32, #tpu.memory_space<vmem_shared>>
      tpu.enqueue_dma source(%arg10 : memref<25x128xf32, #tpu.memory_space<vmem>>) target(%dma_start3A_186 : memref<25x128xf32, #tpu.memory_space<vmem_shared>>) target_semaphore(%run_scoped3A_182 : memref<!tpu.dma_semaphore, #tpu.memory_space<semaphore_mem>>)
      %dma_wait3A_187 = arith.constant 0 : i32
      %dma_wait3A_188 = tpu.memref_slice %arg11[%add3A_60, %dma_wait3A_187] : memref<10000x128xf32, #tpu.memory_space<vmem_shared>> -> memref<25x128xf32, #tpu.memory_space<vmem_shared>>
      %dma_wait3A_189 = arith.constant 0 : i32
      %dma_wait3A_190 = tpu.memref_slice %arg11[%add3A_60, %dma_wait3A_189] : memref<10000x128xf32, #tpu.memory_space<vmem_shared>> -> memref<25x128xf32, #tpu.memory_space<vmem_shared>>
      tpu.wait_dma2 semaphore(%run_scoped3A_182 : memref<!tpu.dma_semaphore, #tpu.memory_space<semaphore_mem>>) src(%arg10 : memref<25x128xf32, #tpu.memory_space<vmem>>) dst(%dma_wait3A_190 : memref<25x128xf32, #tpu.memory_space<vmem_shared>>)
      tpu.yield
    }) : () -> ()
    %mul3A_61 = arith.constant 625 : i32
    %mul3A_62 = arith.muli %arg1, %mul3A_61 : i32
    %add3A_63 = arith.constant 275 : i32
    %add3A_64 = arith.addi %mul3A_62, %add3A_63 : i32
    "tpu.region"() ({
      %run_scoped3A_182 = tpu.sem_alloc : memref<!tpu.dma_semaphore, #tpu.memory_space<semaphore_mem>>
      %dma_start3A_183 = arith.constant 0 : i32
      %dma_start3A_184 = tpu.memref_slice %arg11[%add3A_64, %dma_start3A_183] : memref<10000x128xf32, #tpu.memory_space<vmem_shared>> -> memref<25x128xf32, #tpu.memory_space<vmem_shared>>
      %dma_start3A_185 = arith.constant 0 : i32
      %dma_start3A_186 = tpu.memref_slice %arg11[%add3A_64, %dma_start3A_185] : memref<10000x128xf32, #tpu.memory_space<vmem_shared>> -> memref<25x128xf32, #tpu.memory_space<vmem_shared>>
      tpu.enqueue_dma source(%arg10 : memref<25x128xf32, #tpu.memory_space<vmem>>) target(%dma_start3A_186 : memref<25x128xf32, #tpu.memory_space<vmem_shared>>) target_semaphore(%run_scoped3A_182 : memref<!tpu.dma_semaphore, #tpu.memory_space<semaphore_mem>>)
      %dma_wait3A_187 = arith.constant 0 : i32
      %dma_wait3A_188 = tpu.memref_slice %arg11[%add3A_64, %dma_wait3A_187] : memref<10000x128xf32, #tpu.memory_space<vmem_shared>> -> memref<25x128xf32, #tpu.memory_space<vmem_shared>>
      %dma_wait3A_189 = arith.constant 0 : i32
      %dma_wait3A_190 = tpu.memref_slice %arg11[%add3A_64, %dma_wait3A_189] : memref<10000x128xf32, #tpu.memory_space<vmem_shared>> -> memref<25x128xf32, #tpu.memory_space<vmem_shared>>
      tpu.wait_dma2 semaphore(%run_scoped3A_182 : memref<!tpu.dma_semaphore, #tpu.memory_space<semaphore_mem>>) src(%arg10 : memref<25x128xf32, #tpu.memory_space<vmem>>) dst(%dma_wait3A_190 : memref<25x128xf32, #tpu.memory_space<vmem_shared>>)
      tpu.yield
    }) : () -> ()
    %mul3A_65 = arith.constant 625 : i32
    %mul3A_66 = arith.muli %arg1, %mul3A_65 : i32
    %add3A_67 = arith.constant 300 : i32
    %add3A_68 = arith.addi %mul3A_66, %add3A_67 : i32
    "tpu.region"() ({
      %run_scoped3A_182 = tpu.sem_alloc : memref<!tpu.dma_semaphore, #tpu.memory_space<semaphore_mem>>
      %dma_start3A_183 = arith.constant 0 : i32
      %dma_start3A_184 = tpu.memref_slice %arg11[%add3A_68, %dma_start3A_183] : memref<10000x128xf32, #tpu.memory_space<vmem_shared>> -> memref<25x128xf32, #tpu.memory_space<vmem_shared>>
      %dma_start3A_185 = arith.constant 0 : i32
      %dma_start3A_186 = tpu.memref_slice %arg11[%add3A_68, %dma_start3A_185] : memref<10000x128xf32, #tpu.memory_space<vmem_shared>> -> memref<25x128xf32, #tpu.memory_space<vmem_shared>>
      tpu.enqueue_dma source(%arg10 : memref<25x128xf32, #tpu.memory_space<vmem>>) target(%dma_start3A_186 : memref<25x128xf32, #tpu.memory_space<vmem_shared>>) target_semaphore(%run_scoped3A_182 : memref<!tpu.dma_semaphore, #tpu.memory_space<semaphore_mem>>)
      %dma_wait3A_187 = arith.constant 0 : i32
      %dma_wait3A_188 = tpu.memref_slice %arg11[%add3A_68, %dma_wait3A_187] : memref<10000x128xf32, #tpu.memory_space<vmem_shared>> -> memref<25x128xf32, #tpu.memory_space<vmem_shared>>
      %dma_wait3A_189 = arith.constant 0 : i32
      %dma_wait3A_190 = tpu.memref_slice %arg11[%add3A_68, %dma_wait3A_189] : memref<10000x128xf32, #tpu.memory_space<vmem_shared>> -> memref<25x128xf32, #tpu.memory_space<vmem_shared>>
      tpu.wait_dma2 semaphore(%run_scoped3A_182 : memref<!tpu.dma_semaphore, #tpu.memory_space<semaphore_mem>>) src(%arg10 : memref<25x128xf32, #tpu.memory_space<vmem>>) dst(%dma_wait3A_190 : memref<25x128xf32, #tpu.memory_space<vmem_shared>>)
      tpu.yield
    }) : () -> ()
    %mul3A_69 = arith.constant 625 : i32
    %mul3A_70 = arith.muli %arg1, %mul3A_69 : i32
    %add3A_71 = arith.constant 325 : i32
    %add3A_72 = arith.addi %mul3A_70, %add3A_71 : i32
    "tpu.region"() ({
      %run_scoped3A_182 = tpu.sem_alloc : memref<!tpu.dma_semaphore, #tpu.memory_space<semaphore_mem>>
      %dma_start3A_183 = arith.constant 0 : i32
      %dma_start3A_184 = tpu.memref_slice %arg11[%add3A_72, %dma_start3A_183] : memref<10000x128xf32, #tpu.memory_space<vmem_shared>> -> memref<25x128xf32, #tpu.memory_space<vmem_shared>>
      %dma_start3A_185 = arith.constant 0 : i32
      %dma_start3A_186 = tpu.memref_slice %arg11[%add3A_72, %dma_start3A_185] : memref<10000x128xf32, #tpu.memory_space<vmem_shared>> -> memref<25x128xf32, #tpu.memory_space<vmem_shared>>
      tpu.enqueue_dma source(%arg10 : memref<25x128xf32, #tpu.memory_space<vmem>>) target(%dma_start3A_186 : memref<25x128xf32, #tpu.memory_space<vmem_shared>>) target_semaphore(%run_scoped3A_182 : memref<!tpu.dma_semaphore, #tpu.memory_space<semaphore_mem>>)
      %dma_wait3A_187 = arith.constant 0 : i32
      %dma_wait3A_188 = tpu.memref_slice %arg11[%add3A_72, %dma_wait3A_187] : memref<10000x128xf32, #tpu.memory_space<vmem_shared>> -> memref<25x128xf32, #tpu.memory_space<vmem_shared>>
      %dma_wait3A_189 = arith.constant 0 : i32
      %dma_wait3A_190 = tpu.memref_slice %arg11[%add3A_72, %dma_wait3A_189] : memref<10000x128xf32, #tpu.memory_space<vmem_shared>> -> memref<25x128xf32, #tpu.memory_space<vmem_shared>>
      tpu.wait_dma2 semaphore(%run_scoped3A_182 : memref<!tpu.dma_semaphore, #tpu.memory_space<semaphore_mem>>) src(%arg10 : memref<25x128xf32, #tpu.memory_space<vmem>>) dst(%dma_wait3A_190 : memref<25x128xf32, #tpu.memory_space<vmem_shared>>)
      tpu.yield
    }) : () -> ()
    %mul3A_73 = arith.constant 625 : i32
    %mul3A_74 = arith.muli %arg1, %mul3A_73 : i32
    %add3A_75 = arith.constant 350 : i32
    %add3A_76 = arith.addi %mul3A_74, %add3A_75 : i32
    "tpu.region"() ({
      %run_scoped3A_182 = tpu.sem_alloc : memref<!tpu.dma_semaphore, #tpu.memory_space<semaphore_mem>>
      %dma_start3A_183 = arith.constant 0 : i32
      %dma_start3A_184 = tpu.memref_slice %arg11[%add3A_76, %dma_start3A_183] : memref<10000x128xf32, #tpu.memory_space<vmem_shared>> -> memref<25x128xf32, #tpu.memory_space<vmem_shared>>
      %dma_start3A_185 = arith.constant 0 : i32
      %dma_start3A_186 = tpu.memref_slice %arg11[%add3A_76, %dma_start3A_185] : memref<10000x128xf32, #tpu.memory_space<vmem_shared>> -> memref<25x128xf32, #tpu.memory_space<vmem_shared>>
      tpu.enqueue_dma source(%arg10 : memref<25x128xf32, #tpu.memory_space<vmem>>) target(%dma_start3A_186 : memref<25x128xf32, #tpu.memory_space<vmem_shared>>) target_semaphore(%run_scoped3A_182 : memref<!tpu.dma_semaphore, #tpu.memory_space<semaphore_mem>>)
      %dma_wait3A_187 = arith.constant 0 : i32
      %dma_wait3A_188 = tpu.memref_slice %arg11[%add3A_76, %dma_wait3A_187] : memref<10000x128xf32, #tpu.memory_space<vmem_shared>> -> memref<25x128xf32, #tpu.memory_space<vmem_shared>>
      %dma_wait3A_189 = arith.constant 0 : i32
      %dma_wait3A_190 = tpu.memref_slice %arg11[%add3A_76, %dma_wait3A_189] : memref<10000x128xf32, #tpu.memory_space<vmem_shared>> -> memref<25x128xf32, #tpu.memory_space<vmem_shared>>
      tpu.wait_dma2 semaphore(%run_scoped3A_182 : memref<!tpu.dma_semaphore, #tpu.memory_space<semaphore_mem>>) src(%arg10 : memref<25x128xf32, #tpu.memory_space<vmem>>) dst(%dma_wait3A_190 : memref<25x128xf32, #tpu.memory_space<vmem_shared>>)
      tpu.yield
    }) : () -> ()
    %mul3A_77 = arith.constant 625 : i32
    %mul3A_78 = arith.muli %arg1, %mul3A_77 : i32
    %add3A_79 = arith.constant 375 : i32
    %add3A_80 = arith.addi %mul3A_78, %add3A_79 : i32
    "tpu.region"() ({
      %run_scoped3A_182 = tpu.sem_alloc : memref<!tpu.dma_semaphore, #tpu.memory_space<semaphore_mem>>
      %dma_start3A_183 = arith.constant 0 : i32
      %dma_start3A_184 = tpu.memref_slice %arg11[%add3A_80, %dma_start3A_183] : memref<10000x128xf32, #tpu.memory_space<vmem_shared>> -> memref<25x128xf32, #tpu.memory_space<vmem_shared>>
      %dma_start3A_185 = arith.constant 0 : i32
      %dma_start3A_186 = tpu.memref_slice %arg11[%add3A_80, %dma_start3A_185] : memref<10000x128xf32, #tpu.memory_space<vmem_shared>> -> memref<25x128xf32, #tpu.memory_space<vmem_shared>>
      tpu.enqueue_dma source(%arg10 : memref<25x128xf32, #tpu.memory_space<vmem>>) target(%dma_start3A_186 : memref<25x128xf32, #tpu.memory_space<vmem_shared>>) target_semaphore(%run_scoped3A_182 : memref<!tpu.dma_semaphore, #tpu.memory_space<semaphore_mem>>)
      %dma_wait3A_187 = arith.constant 0 : i32
      %dma_wait3A_188 = tpu.memref_slice %arg11[%add3A_80, %dma_wait3A_187] : memref<10000x128xf32, #tpu.memory_space<vmem_shared>> -> memref<25x128xf32, #tpu.memory_space<vmem_shared>>
      %dma_wait3A_189 = arith.constant 0 : i32
      %dma_wait3A_190 = tpu.memref_slice %arg11[%add3A_80, %dma_wait3A_189] : memref<10000x128xf32, #tpu.memory_space<vmem_shared>> -> memref<25x128xf32, #tpu.memory_space<vmem_shared>>
      tpu.wait_dma2 semaphore(%run_scoped3A_182 : memref<!tpu.dma_semaphore, #tpu.memory_space<semaphore_mem>>) src(%arg10 : memref<25x128xf32, #tpu.memory_space<vmem>>) dst(%dma_wait3A_190 : memref<25x128xf32, #tpu.memory_space<vmem_shared>>)
      tpu.yield
    }) : () -> ()
    %mul3A_81 = arith.constant 625 : i32
    %mul3A_82 = arith.muli %arg1, %mul3A_81 : i32
    %add3A_83 = arith.constant 400 : i32
    %add3A_84 = arith.addi %mul3A_82, %add3A_83 : i32
    "tpu.region"() ({
      %run_scoped3A_182 = tpu.sem_alloc : memref<!tpu.dma_semaphore, #tpu.memory_space<semaphore_mem>>
      %dma_start3A_183 = arith.constant 0 : i32
      %dma_start3A_184 = tpu.memref_slice %arg11[%add3A_84, %dma_start3A_183] : memref<10000x128xf32, #tpu.memory_space<vmem_shared>> -> memref<25x128xf32, #tpu.memory_space<vmem_shared>>
      %dma_start3A_185 = arith.constant 0 : i32
      %dma_start3A_186 = tpu.memref_slice %arg11[%add3A_84, %dma_start3A_185] : memref<10000x128xf32, #tpu.memory_space<vmem_shared>> -> memref<25x128xf32, #tpu.memory_space<vmem_shared>>
      tpu.enqueue_dma source(%arg10 : memref<25x128xf32, #tpu.memory_space<vmem>>) target(%dma_start3A_186 : memref<25x128xf32, #tpu.memory_space<vmem_shared>>) target_semaphore(%run_scoped3A_182 : memref<!tpu.dma_semaphore, #tpu.memory_space<semaphore_mem>>)
      %dma_wait3A_187 = arith.constant 0 : i32
      %dma_wait3A_188 = tpu.memref_slice %arg11[%add3A_84, %dma_wait3A_187] : memref<10000x128xf32, #tpu.memory_space<vmem_shared>> -> memref<25x128xf32, #tpu.memory_space<vmem_shared>>
      %dma_wait3A_189 = arith.constant 0 : i32
      %dma_wait3A_190 = tpu.memref_slice %arg11[%add3A_84, %dma_wait3A_189] : memref<10000x128xf32, #tpu.memory_space<vmem_shared>> -> memref<25x128xf32, #tpu.memory_space<vmem_shared>>
      tpu.wait_dma2 semaphore(%run_scoped3A_182 : memref<!tpu.dma_semaphore, #tpu.memory_space<semaphore_mem>>) src(%arg10 : memref<25x128xf32, #tpu.memory_space<vmem>>) dst(%dma_wait3A_190 : memref<25x128xf32, #tpu.memory_space<vmem_shared>>)
      tpu.yield
    }) : () -> ()
    %mul3A_85 = arith.constant 625 : i32
    %mul3A_86 = arith.muli %arg1, %mul3A_85 : i32
    %add3A_87 = arith.constant 425 : i32
    %add3A_88 = arith.addi %mul3A_86, %add3A_87 : i32
    "tpu.region"() ({
      %run_scoped3A_182 = tpu.sem_alloc : memref<!tpu.dma_semaphore, #tpu.memory_space<semaphore_mem>>
      %dma_start3A_183 = arith.constant 0 : i32
      %dma_start3A_184 = tpu.memref_slice %arg11[%add3A_88, %dma_start3A_183] : memref<10000x128xf32, #tpu.memory_space<vmem_shared>> -> memref<25x128xf32, #tpu.memory_space<vmem_shared>>
      %dma_start3A_185 = arith.constant 0 : i32
      %dma_start3A_186 = tpu.memref_slice %arg11[%add3A_88, %dma_start3A_185] : memref<10000x128xf32, #tpu.memory_space<vmem_shared>> -> memref<25x128xf32, #tpu.memory_space<vmem_shared>>
      tpu.enqueue_dma source(%arg10 : memref<25x128xf32, #tpu.memory_space<vmem>>) target(%dma_start3A_186 : memref<25x128xf32, #tpu.memory_space<vmem_shared>>) target_semaphore(%run_scoped3A_182 : memref<!tpu.dma_semaphore, #tpu.memory_space<semaphore_mem>>)
      %dma_wait3A_187 = arith.constant 0 : i32
      %dma_wait3A_188 = tpu.memref_slice %arg11[%add3A_88, %dma_wait3A_187] : memref<10000x128xf32, #tpu.memory_space<vmem_shared>> -> memref<25x128xf32, #tpu.memory_space<vmem_shared>>
      %dma_wait3A_189 = arith.constant 0 : i32
      %dma_wait3A_190 = tpu.memref_slice %arg11[%add3A_88, %dma_wait3A_189] : memref<10000x128xf32, #tpu.memory_space<vmem_shared>> -> memref<25x128xf32, #tpu.memory_space<vmem_shared>>
      tpu.wait_dma2 semaphore(%run_scoped3A_182 : memref<!tpu.dma_semaphore, #tpu.memory_space<semaphore_mem>>) src(%arg10 : memref<25x128xf32, #tpu.memory_space<vmem>>) dst(%dma_wait3A_190 : memref<25x128xf32, #tpu.memory_space<vmem_shared>>)
      tpu.yield
    }) : () -> ()
    %mul3A_89 = arith.constant 625 : i32
    %mul3A_90 = arith.muli %arg1, %mul3A_89 : i32
    %add3A_91 = arith.constant 450 : i32
    %add3A_92 = arith.addi %mul3A_90, %add3A_91 : i32
    "tpu.region"() ({
      %run_scoped3A_182 = tpu.sem_alloc : memref<!tpu.dma_semaphore, #tpu.memory_space<semaphore_mem>>
      %dma_start3A_183 = arith.constant 0 : i32
      %dma_start3A_184 = tpu.memref_slice %arg11[%add3A_92, %dma_start3A_183] : memref<10000x128xf32, #tpu.memory_space<vmem_shared>> -> memref<25x128xf32, #tpu.memory_space<vmem_shared>>
      %dma_start3A_185 = arith.constant 0 : i32
      %dma_start3A_186 = tpu.memref_slice %arg11[%add3A_92, %dma_start3A_185] : memref<10000x128xf32, #tpu.memory_space<vmem_shared>> -> memref<25x128xf32, #tpu.memory_space<vmem_shared>>
      tpu.enqueue_dma source(%arg10 : memref<25x128xf32, #tpu.memory_space<vmem>>) target(%dma_start3A_186 : memref<25x128xf32, #tpu.memory_space<vmem_shared>>) target_semaphore(%run_scoped3A_182 : memref<!tpu.dma_semaphore, #tpu.memory_space<semaphore_mem>>)
      %dma_wait3A_187 = arith.constant 0 : i32
      %dma_wait3A_188 = tpu.memref_slice %arg11[%add3A_92, %dma_wait3A_187] : memref<10000x128xf32, #tpu.memory_space<vmem_shared>> -> memref<25x128xf32, #tpu.memory_space<vmem_shared>>
      %dma_wait3A_189 = arith.constant 0 : i32
      %dma_wait3A_190 = tpu.memref_slice %arg11[%add3A_92, %dma_wait3A_189] : memref<10000x128xf32, #tpu.memory_space<vmem_shared>> -> memref<25x128xf32, #tpu.memory_space<vmem_shared>>
      tpu.wait_dma2 semaphore(%run_scoped3A_182 : memref<!tpu.dma_semaphore, #tpu.memory_space<semaphore_mem>>) src(%arg10 : memref<25x128xf32, #tpu.memory_space<vmem>>) dst(%dma_wait3A_190 : memref<25x128xf32, #tpu.memory_space<vmem_shared>>)
      tpu.yield
    }) : () -> ()
    %mul3A_93 = arith.constant 625 : i32
    %mul3A_94 = arith.muli %arg1, %mul3A_93 : i32
    %add3A_95 = arith.constant 475 : i32
    %add3A_96 = arith.addi %mul3A_94, %add3A_95 : i32
    "tpu.region"() ({
      %run_scoped3A_182 = tpu.sem_alloc : memref<!tpu.dma_semaphore, #tpu.memory_space<semaphore_mem>>
      %dma_start3A_183 = arith.constant 0 : i32
      %dma_start3A_184 = tpu.memref_slice %arg11[%add3A_96, %dma_start3A_183] : memref<10000x128xf32, #tpu.memory_space<vmem_shared>> -> memref<25x128xf32, #tpu.memory_space<vmem_shared>>
      %dma_start3A_185 = arith.constant 0 : i32
      %dma_start3A_186 = tpu.memref_slice %arg11[%add3A_96, %dma_start3A_185] : memref<10000x128xf32, #tpu.memory_space<vmem_shared>> -> memref<25x128xf32, #tpu.memory_space<vmem_shared>>
      tpu.enqueue_dma source(%arg10 : memref<25x128xf32, #tpu.memory_space<vmem>>) target(%dma_start3A_186 : memref<25x128xf32, #tpu.memory_space<vmem_shared>>) target_semaphore(%run_scoped3A_182 : memref<!tpu.dma_semaphore, #tpu.memory_space<semaphore_mem>>)
      %dma_wait3A_187 = arith.constant 0 : i32
      %dma_wait3A_188 = tpu.memref_slice %arg11[%add3A_96, %dma_wait3A_187] : memref<10000x128xf32, #tpu.memory_space<vmem_shared>> -> memref<25x128xf32, #tpu.memory_space<vmem_shared>>
      %dma_wait3A_189 = arith.constant 0 : i32
      %dma_wait3A_190 = tpu.memref_slice %arg11[%add3A_96, %dma_wait3A_189] : memref<10000x128xf32, #tpu.memory_space<vmem_shared>> -> memref<25x128xf32, #tpu.memory_space<vmem_shared>>
      tpu.wait_dma2 semaphore(%run_scoped3A_182 : memref<!tpu.dma_semaphore, #tpu.memory_space<semaphore_mem>>) src(%arg10 : memref<25x128xf32, #tpu.memory_space<vmem>>) dst(%dma_wait3A_190 : memref<25x128xf32, #tpu.memory_space<vmem_shared>>)
      tpu.yield
    }) : () -> ()
    %mul3A_97 = arith.constant 625 : i32
    %mul3A_98 = arith.muli %arg1, %mul3A_97 : i32
    %add3A_99 = arith.constant 500 : i32
    %add3A_100 = arith.addi %mul3A_98, %add3A_99 : i32
    "tpu.region"() ({
      %run_scoped3A_182 = tpu.sem_alloc : memref<!tpu.dma_semaphore, #tpu.memory_space<semaphore_mem>>
      %dma_start3A_183 = arith.constant 0 : i32
      %dma_start3A_184 = tpu.memref_slice %arg11[%add3A_100, %dma_start3A_183] : memref<10000x128xf32, #tpu.memory_space<vmem_shared>> -> memref<25x128xf32, #tpu.memory_space<vmem_shared>>
      %dma_start3A_185 = arith.constant 0 : i32
      %dma_start3A_186 = tpu.memref_slice %arg11[%add3A_100, %dma_start3A_185] : memref<10000x128xf32, #tpu.memory_space<vmem_shared>> -> memref<25x128xf32, #tpu.memory_space<vmem_shared>>
      tpu.enqueue_dma source(%arg10 : memref<25x128xf32, #tpu.memory_space<vmem>>) target(%dma_start3A_186 : memref<25x128xf32, #tpu.memory_space<vmem_shared>>) target_semaphore(%run_scoped3A_182 : memref<!tpu.dma_semaphore, #tpu.memory_space<semaphore_mem>>)
      %dma_wait3A_187 = arith.constant 0 : i32
      %dma_wait3A_188 = tpu.memref_slice %arg11[%add3A_100, %dma_wait3A_187] : memref<10000x128xf32, #tpu.memory_space<vmem_shared>> -> memref<25x128xf32, #tpu.memory_space<vmem_shared>>
      %dma_wait3A_189 = arith.constant 0 : i32
      %dma_wait3A_190 = tpu.memref_slice %arg11[%add3A_100, %dma_wait3A_189] : memref<10000x128xf32, #tpu.memory_space<vmem_shared>> -> memref<25x128xf32, #tpu.memory_space<vmem_shared>>
      tpu.wait_dma2 semaphore(%run_scoped3A_182 : memref<!tpu.dma_semaphore, #tpu.memory_space<semaphore_mem>>) src(%arg10 : memref<25x128xf32, #tpu.memory_space<vmem>>) dst(%dma_wait3A_190 : memref<25x128xf32, #tpu.memory_space<vmem_shared>>)
      tpu.yield
    }) : () -> ()
    %mul3A_101 = arith.constant 625 : i32
    %mul3A_102 = arith.muli %arg1, %mul3A_101 : i32
    %add3A_103 = arith.constant 525 : i32
    %add3A_104 = arith.addi %mul3A_102, %add3A_103 : i32
    "tpu.region"() ({
      %run_scoped3A_182 = tpu.sem_alloc : memref<!tpu.dma_semaphore, #tpu.memory_space<semaphore_mem>>
      %dma_start3A_183 = arith.constant 0 : i32
      %dma_start3A_184 = tpu.memref_slice %arg11[%add3A_104, %dma_start3A_183] : memref<10000x128xf32, #tpu.memory_space<vmem_shared>> -> memref<25x128xf32, #tpu.memory_space<vmem_shared>>
      %dma_start3A_185 = arith.constant 0 : i32
      %dma_start3A_186 = tpu.memref_slice %arg11[%add3A_104, %dma_start3A_185] : memref<10000x128xf32, #tpu.memory_space<vmem_shared>> -> memref<25x128xf32, #tpu.memory_space<vmem_shared>>
      tpu.enqueue_dma source(%arg10 : memref<25x128xf32, #tpu.memory_space<vmem>>) target(%dma_start3A_186 : memref<25x128xf32, #tpu.memory_space<vmem_shared>>) target_semaphore(%run_scoped3A_182 : memref<!tpu.dma_semaphore, #tpu.memory_space<semaphore_mem>>)
      %dma_wait3A_187 = arith.constant 0 : i32
      %dma_wait3A_188 = tpu.memref_slice %arg11[%add3A_104, %dma_wait3A_187] : memref<10000x128xf32, #tpu.memory_space<vmem_shared>> -> memref<25x128xf32, #tpu.memory_space<vmem_shared>>
      %dma_wait3A_189 = arith.constant 0 : i32
      %dma_wait3A_190 = tpu.memref_slice %arg11[%add3A_104, %dma_wait3A_189] : memref<10000x128xf32, #tpu.memory_space<vmem_shared>> -> memref<25x128xf32, #tpu.memory_space<vmem_shared>>
      tpu.wait_dma2 semaphore(%run_scoped3A_182 : memref<!tpu.dma_semaphore, #tpu.memory_space<semaphore_mem>>) src(%arg10 : memref<25x128xf32, #tpu.memory_space<vmem>>) dst(%dma_wait3A_190 : memref<25x128xf32, #tpu.memory_space<vmem_shared>>)
      tpu.yield
    }) : () -> ()
    %mul3A_105 = arith.constant 625 : i32
    %mul3A_106 = arith.muli %arg1, %mul3A_105 : i32
    %add3A_107 = arith.constant 550 : i32
    %add3A_108 = arith.addi %mul3A_106, %add3A_107 : i32
    "tpu.region"() ({
      %run_scoped3A_182 = tpu.sem_alloc : memref<!tpu.dma_semaphore, #tpu.memory_space<semaphore_mem>>
      %dma_start3A_183 = arith.constant 0 : i32
      %dma_start3A_184 = tpu.memref_slice %arg11[%add3A_108, %dma_start3A_183] : memref<10000x128xf32, #tpu.memory_space<vmem_shared>> -> memref<25x128xf32, #tpu.memory_space<vmem_shared>>
      %dma_start3A_185 = arith.constant 0 : i32
      %dma_start3A_186 = tpu.memref_slice %arg11[%add3A_108, %dma_start3A_185] : memref<10000x128xf32, #tpu.memory_space<vmem_shared>> -> memref<25x128xf32, #tpu.memory_space<vmem_shared>>
      tpu.enqueue_dma source(%arg10 : memref<25x128xf32, #tpu.memory_space<vmem>>) target(%dma_start3A_186 : memref<25x128xf32, #tpu.memory_space<vmem_shared>>) target_semaphore(%run_scoped3A_182 : memref<!tpu.dma_semaphore, #tpu.memory_space<semaphore_mem>>)
      %dma_wait3A_187 = arith.constant 0 : i32
      %dma_wait3A_188 = tpu.memref_slice %arg11[%add3A_108, %dma_wait3A_187] : memref<10000x128xf32, #tpu.memory_space<vmem_shared>> -> memref<25x128xf32, #tpu.memory_space<vmem_shared>>
      %dma_wait3A_189 = arith.constant 0 : i32
      %dma_wait3A_190 = tpu.memref_slice %arg11[%add3A_108, %dma_wait3A_189] : memref<10000x128xf32, #tpu.memory_space<vmem_shared>> -> memref<25x128xf32, #tpu.memory_space<vmem_shared>>
      tpu.wait_dma2 semaphore(%run_scoped3A_182 : memref<!tpu.dma_semaphore, #tpu.memory_space<semaphore_mem>>) src(%arg10 : memref<25x128xf32, #tpu.memory_space<vmem>>) dst(%dma_wait3A_190 : memref<25x128xf32, #tpu.memory_space<vmem_shared>>)
      tpu.yield
    }) : () -> ()
    %mul3A_109 = arith.constant 625 : i32
    %mul3A_110 = arith.muli %arg1, %mul3A_109 : i32
    %add3A_111 = arith.constant 575 : i32
    %add3A_112 = arith.addi %mul3A_110, %add3A_111 : i32
    "tpu.region"() ({
      %run_scoped3A_182 = tpu.sem_alloc : memref<!tpu.dma_semaphore, #tpu.memory_space<semaphore_mem>>
      %dma_start3A_183 = arith.constant 0 : i32
      %dma_start3A_184 = tpu.memref_slice %arg11[%add3A_112, %dma_start3A_183] : memref<10000x128xf32, #tpu.memory_space<vmem_shared>> -> memref<25x128xf32, #tpu.memory_space<vmem_shared>>
      %dma_start3A_185 = arith.constant 0 : i32
      %dma_start3A_186 = tpu.memref_slice %arg11[%add3A_112, %dma_start3A_185] : memref<10000x128xf32, #tpu.memory_space<vmem_shared>> -> memref<25x128xf32, #tpu.memory_space<vmem_shared>>
      tpu.enqueue_dma source(%arg10 : memref<25x128xf32, #tpu.memory_space<vmem>>) target(%dma_start3A_186 : memref<25x128xf32, #tpu.memory_space<vmem_shared>>) target_semaphore(%run_scoped3A_182 : memref<!tpu.dma_semaphore, #tpu.memory_space<semaphore_mem>>)
      %dma_wait3A_187 = arith.constant 0 : i32
      %dma_wait3A_188 = tpu.memref_slice %arg11[%add3A_112, %dma_wait3A_187] : memref<10000x128xf32, #tpu.memory_space<vmem_shared>> -> memref<25x128xf32, #tpu.memory_space<vmem_shared>>
      %dma_wait3A_189 = arith.constant 0 : i32
      %dma_wait3A_190 = tpu.memref_slice %arg11[%add3A_112, %dma_wait3A_189] : memref<10000x128xf32, #tpu.memory_space<vmem_shared>> -> memref<25x128xf32, #tpu.memory_space<vmem_shared>>
      tpu.wait_dma2 semaphore(%run_scoped3A_182 : memref<!tpu.dma_semaphore, #tpu.memory_space<semaphore_mem>>) src(%arg10 : memref<25x128xf32, #tpu.memory_space<vmem>>) dst(%dma_wait3A_190 : memref<25x128xf32, #tpu.memory_space<vmem_shared>>)
      tpu.yield
    }) : () -> ()
    %mul3A_113 = arith.constant 625 : i32
    %mul3A_114 = arith.muli %arg1, %mul3A_113 : i32
    %add3A_115 = arith.constant 600 : i32
    %add3A_116 = arith.addi %mul3A_114, %add3A_115 : i32
    "tpu.region"() ({
      %run_scoped3A_182 = tpu.sem_alloc : memref<!tpu.dma_semaphore, #tpu.memory_space<semaphore_mem>>
      %dma_start3A_183 = arith.constant 0 : i32
      %dma_start3A_184 = tpu.memref_slice %arg11[%add3A_116, %dma_start3A_183] : memref<10000x128xf32, #tpu.memory_space<vmem_shared>> -> memref<25x128xf32, #tpu.memory_space<vmem_shared>>
      %dma_start3A_185 = arith.constant 0 : i32
      %dma_start3A_186 = tpu.memref_slice %arg11[%add3A_116, %dma_start3A_185] : memref<10000x128xf32, #tpu.memory_space<vmem_shared>> -> memref<25x128xf32, #tpu.memory_space<vmem_shared>>
      tpu.enqueue_dma source(%arg10 : memref<25x128xf32, #tpu.memory_space<vmem>>) target(%dma_start3A_186 : memref<25x128xf32, #tpu.memory_space<vmem_shared>>) target_semaphore(%run_scoped3A_182 : memref<!tpu.dma_semaphore, #tpu.memory_space<semaphore_mem>>)
      %dma_wait3A_187 = arith.constant 0 : i32
      %dma_wait3A_188 = tpu.memref_slice %arg11[%add3A_116, %dma_wait3A_187] : memref<10000x128xf32, #tpu.memory_space<vmem_shared>> -> memref<25x128xf32, #tpu.memory_space<vmem_shared>>
      %dma_wait3A_189 = arith.constant 0 : i32
      %dma_wait3A_190 = tpu.memref_slice %arg11[%add3A_116, %dma_wait3A_189] : memref<10000x128xf32, #tpu.memory_space<vmem_shared>> -> memref<25x128xf32, #tpu.memory_space<vmem_shared>>
      tpu.wait_dma2 semaphore(%run_scoped3A_182 : memref<!tpu.dma_semaphore, #tpu.memory_space<semaphore_mem>>) src(%arg10 : memref<25x128xf32, #tpu.memory_space<vmem>>) dst(%dma_wait3A_190 : memref<25x128xf32, #tpu.memory_space<vmem_shared>>)
      tpu.yield
    }) : () -> ()
    %mul3A_117 = arith.constant 125 : i32
    %mul3A_118 = arith.muli %add3A, %mul3A_117 : i32
    %dma_wait3A = arith.constant 0 : i32
    %dma_wait3A_119 = tpu.memref_slice %arg3[%mul3A_118, %dma_wait3A] : memref<4000x80xi32, #tpu.memory_space<hbm>> -> memref<125x80xi32, #tpu.memory_space<hbm>>
    %dma_wait3A_120 = arith.constant 0 : i32
    %dma_wait3A_121 = tpu.memref_slice %arg3[%mul3A_118, %dma_wait3A_120] : memref<4000x80xi32, #tpu.memory_space<hbm>> -> memref<125x80xi32, #tpu.memory_space<hbm>>
    tpu.wait_dma2 semaphore(%arg16 : memref<!tpu.dma_semaphore, #tpu.memory_space<semaphore_mem>>) src(%dma_wait3A_121 : memref<125x80xi32, #tpu.memory_space<hbm>>) dst(%arg6 : memref<125x80xi32, #tpu.memory_space<vmem>>)
    %mul3A_122 = arith.constant 125 : i32
    %mul3A_123 = arith.muli %add3A, %mul3A_122 : i32
    %dma_wait3A_124 = arith.constant 0 : i32
    %dma_wait3A_125 = tpu.memref_slice %arg4[%mul3A_123, %dma_wait3A_124] : memref<4000x80xi32, #tpu.memory_space<hbm>> -> memref<125x80xi32, #tpu.memory_space<hbm>>
    %dma_wait3A_126 = arith.constant 0 : i32
    %dma_wait3A_127 = tpu.memref_slice %arg4[%mul3A_123, %dma_wait3A_126] : memref<4000x80xi32, #tpu.memory_space<hbm>> -> memref<125x80xi32, #tpu.memory_space<hbm>>
    tpu.wait_dma2 semaphore(%arg16 : memref<!tpu.dma_semaphore, #tpu.memory_space<semaphore_mem>>) src(%dma_wait3A_127 : memref<125x80xi32, #tpu.memory_space<hbm>>) dst(%arg7 : memref<125x80xi32, #tpu.memory_space<vmem>>)
    %barrier3A = arith.constant 0 : index
    tpu.barrier barrier_id(%barrier3A)
    %dma_start3A_128 = arith.constant 0 : i32
    %dma_start3A_129 = arith.constant 0 : i32
    %dma_start3A_130 = arith.constant 0 : i32
    %dma_start3A_131 = tpu.memref_slice %arg8[%dma_start3A_129, %dma_start3A_130] : memref<80x128xf32, #tpu.memory_space<vmem>> -> memref<40x128xf32, #tpu.memory_space<vmem>>
    %dma_start3A_132 = arith.constant 0 : i32
    %dma_start3A_133 = tpu.memref_slice %arg6[%dma_start3A_128, %dma_start3A_132] : memref<125x80xi32, #tpu.memory_space<vmem>> -> memref<1x40xi32, #tpu.memory_space<vmem>>
    %dma_start3A_134 = tpu.memref_squeeze %dma_start3A_133 : memref<1x40xi32, #tpu.memory_space<vmem>> -> memref<40xi32, #tpu.memory_space<vmem>>
    %dma_start3A_135 = arith.constant 0 : i32
    %dma_start3A_136 = arith.constant 0 : i32
    %dma_start3A_137 = tpu.memref_slice %arg2[%dma_start3A_135, %dma_start3A_136] : memref<10000x128xf32, #tpu.memory_space<hbm>> -> memref<10000x128xf32, #tpu.memory_space<hbm>>
    tpu.enqueue_indirect_dma source(%dma_start3A_137 : memref<10000x128xf32, #tpu.memory_space<hbm>>) target(%dma_start3A_131 : memref<40x128xf32, #tpu.memory_space<vmem>>) offsets(%dma_start3A_134 : memref<40xi32, #tpu.memory_space<vmem>>) semaphore(%arg12 : memref<!tpu.dma_semaphore, #tpu.memory_space<semaphore_mem>>)
    %dma_start3A_138 = arith.constant 0 : i32
    %dma_start3A_139 = arith.constant 40 : i32
    %dma_start3A_140 = arith.constant 0 : i32
    %dma_start3A_141 = tpu.memref_slice %arg8[%dma_start3A_139, %dma_start3A_140] : memref<80x128xf32, #tpu.memory_space<vmem>> -> memref<40x128xf32, #tpu.memory_space<vmem>>
    %dma_start3A_142 = arith.constant 40 : i32
    %dma_start3A_143 = tpu.memref_slice %arg6[%dma_start3A_138, %dma_start3A_142] : memref<125x80xi32, #tpu.memory_space<vmem>> -> memref<1x40xi32, #tpu.memory_space<vmem>>
    %dma_start3A_144 = tpu.memref_squeeze %dma_start3A_143 : memref<1x40xi32, #tpu.memory_space<vmem>> -> memref<40xi32, #tpu.memory_space<vmem>>
    %dma_start3A_145 = arith.constant 0 : i32
    %dma_start3A_146 = arith.constant 0 : i32
    %dma_start3A_147 = tpu.memref_slice %arg2[%dma_start3A_145, %dma_start3A_146] : memref<10000x128xf32, #tpu.memory_space<hbm>> -> memref<10000x128xf32, #tpu.memory_space<hbm>>
    tpu.enqueue_indirect_dma source(%dma_start3A_147 : memref<10000x128xf32, #tpu.memory_space<hbm>>) target(%dma_start3A_141 : memref<40x128xf32, #tpu.memory_space<vmem>>) offsets(%dma_start3A_144 : memref<40xi32, #tpu.memory_space<vmem>>) semaphore(%arg13 : memref<!tpu.dma_semaphore, #tpu.memory_space<semaphore_mem>>)
    %scan3A_148 = arith.constant 0 : i32
    %scan3A_149 = arith.constant 62 : i32
    %scan3A_150 = arith.addi %scan3A_148, %scan3A_149 : i32
    %scan3A_151 = arith.constant 1 : i32
    scf.for %scan3A_182 = %scan3A_148 to %scan3A_150 step %scan3A_151  : i32 {
      %mul3A_183 = arith.constant 2 : i32
      %mul3A_184 = arith.muli %mul3A_183, %scan3A_182 : i32
      %add3A_185 = arith.constant 1 : i32
      %add3A_186 = arith.addi %mul3A_184, %add3A_185 : i32
      %dma_start3A_187 = arith.constant 0 : i32
      %dma_start3A_188 = arith.constant 0 : i32
      %dma_start3A_189 = tpu.memref_slice %arg9[%dma_start3A_187, %dma_start3A_188] : memref<80x128xf32, #tpu.memory_space<vmem>> -> memref<40x128xf32, #tpu.memory_space<vmem>>
      %dma_start3A_190 = arith.constant 0 : i32
      %dma_start3A_191 = tpu.memref_slice %arg6[%add3A_186, %dma_start3A_190] : memref<125x80xi32, #tpu.memory_space<vmem>> -> memref<1x40xi32, #tpu.memory_space<vmem>>
      %dma_start3A_192 = tpu.memref_squeeze %dma_start3A_191 : memref<1x40xi32, #tpu.memory_space<vmem>> -> memref<40xi32, #tpu.memory_space<vmem>>
      %dma_start3A_193 = arith.constant 0 : i32
      %dma_start3A_194 = arith.constant 0 : i32
      %dma_start3A_195 = tpu.memref_slice %arg2[%dma_start3A_193, %dma_start3A_194] : memref<10000x128xf32, #tpu.memory_space<hbm>> -> memref<10000x128xf32, #tpu.memory_space<hbm>>
      tpu.enqueue_indirect_dma source(%dma_start3A_195 : memref<10000x128xf32, #tpu.memory_space<hbm>>) target(%dma_start3A_189 : memref<40x128xf32, #tpu.memory_space<vmem>>) offsets(%dma_start3A_192 : memref<40xi32, #tpu.memory_space<vmem>>) semaphore(%arg14 : memref<!tpu.dma_semaphore, #tpu.memory_space<semaphore_mem>>)
      %dma_start3A_196 = arith.constant 40 : i32
      %dma_start3A_197 = arith.constant 0 : i32
      %dma_start3A_198 = tpu.memref_slice %arg9[%dma_start3A_196, %dma_start3A_197] : memref<80x128xf32, #tpu.memory_space<vmem>> -> memref<40x128xf32, #tpu.memory_space<vmem>>
      %dma_start3A_199 = arith.constant 40 : i32
      %dma_start3A_200 = tpu.memref_slice %arg6[%add3A_186, %dma_start3A_199] : memref<125x80xi32, #tpu.memory_space<vmem>> -> memref<1x40xi32, #tpu.memory_space<vmem>>
      %dma_start3A_201 = tpu.memref_squeeze %dma_start3A_200 : memref<1x40xi32, #tpu.memory_space<vmem>> -> memref<40xi32, #tpu.memory_space<vmem>>
      %dma_start3A_202 = arith.constant 0 : i32
      %dma_start3A_203 = arith.constant 0 : i32
      %dma_start3A_204 = tpu.memref_slice %arg2[%dma_start3A_202, %dma_start3A_203] : memref<10000x128xf32, #tpu.memory_space<hbm>> -> memref<10000x128xf32, #tpu.memory_space<hbm>>
      tpu.enqueue_indirect_dma source(%dma_start3A_204 : memref<10000x128xf32, #tpu.memory_space<hbm>>) target(%dma_start3A_198 : memref<40x128xf32, #tpu.memory_space<vmem>>) offsets(%dma_start3A_201 : memref<40xi32, #tpu.memory_space<vmem>>) semaphore(%arg15 : memref<!tpu.dma_semaphore, #tpu.memory_space<semaphore_mem>>)
      %dma_wait3A_205 = arith.constant 0 : i32
      %dma_wait3A_206 = arith.constant 0 : i32
      %dma_wait3A_207 = tpu.memref_slice %arg8[%dma_wait3A_205, %dma_wait3A_206] : memref<80x128xf32, #tpu.memory_space<vmem>> -> memref<40x128xf32, #tpu.memory_space<vmem>>
      %dma_wait3A_208 = arith.constant 0 : i32
      %dma_wait3A_209 = arith.constant 0 : i32
      %dma_wait3A_210 = tpu.memref_slice %arg2[%dma_wait3A_208, %dma_wait3A_209] : memref<10000x128xf32, #tpu.memory_space<hbm>> -> memref<40x128xf32, #tpu.memory_space<hbm>>
      %dma_wait3A_211 = arith.constant 0 : i32
      %dma_wait3A_212 = arith.constant 0 : i32
      %dma_wait3A_213 = tpu.memref_slice %arg8[%dma_wait3A_211, %dma_wait3A_212] : memref<80x128xf32, #tpu.memory_space<vmem>> -> memref<40x128xf32, #tpu.memory_space<vmem>>
      %dma_wait3A_214 = arith.constant 0 : i32
      %dma_wait3A_215 = arith.constant 0 : i32
      %dma_wait3A_216 = tpu.memref_slice %arg2[%dma_wait3A_214, %dma_wait3A_215] : memref<10000x128xf32, #tpu.memory_space<hbm>> -> memref<40x128xf32, #tpu.memory_space<hbm>>
      tpu.wait_dma2 semaphore(%arg12 : memref<!tpu.dma_semaphore, #tpu.memory_space<semaphore_mem>>) src(%dma_wait3A_216 : memref<40x128xf32, #tpu.memory_space<hbm>>) dst(%dma_wait3A_213 : memref<40x128xf32, #tpu.memory_space<vmem>>)
      %dma_wait3A_217 = arith.constant 40 : i32
      %dma_wait3A_218 = arith.constant 0 : i32
      %dma_wait3A_219 = tpu.memref_slice %arg8[%dma_wait3A_217, %dma_wait3A_218] : memref<80x128xf32, #tpu.memory_space<vmem>> -> memref<40x128xf32, #tpu.memory_space<vmem>>
      %dma_wait3A_220 = arith.constant 0 : i32
      %dma_wait3A_221 = arith.constant 0 : i32
      %dma_wait3A_222 = tpu.memref_slice %arg2[%dma_wait3A_220, %dma_wait3A_221] : memref<10000x128xf32, #tpu.memory_space<hbm>> -> memref<40x128xf32, #tpu.memory_space<hbm>>
      %dma_wait3A_223 = arith.constant 40 : i32
      %dma_wait3A_224 = arith.constant 0 : i32
      %dma_wait3A_225 = tpu.memref_slice %arg8[%dma_wait3A_223, %dma_wait3A_224] : memref<80x128xf32, #tpu.memory_space<vmem>> -> memref<40x128xf32, #tpu.memory_space<vmem>>
      %dma_wait3A_226 = arith.constant 0 : i32
      %dma_wait3A_227 = arith.constant 0 : i32
      %dma_wait3A_228 = tpu.memref_slice %arg2[%dma_wait3A_226, %dma_wait3A_227] : memref<10000x128xf32, #tpu.memory_space<hbm>> -> memref<40x128xf32, #tpu.memory_space<hbm>>
      tpu.wait_dma2 semaphore(%arg13 : memref<!tpu.dma_semaphore, #tpu.memory_space<semaphore_mem>>) src(%dma_wait3A_228 : memref<40x128xf32, #tpu.memory_space<hbm>>) dst(%dma_wait3A_225 : memref<40x128xf32, #tpu.memory_space<vmem>>)
      %mul3A_229 = arith.constant 2 : i32
      %mul3A_230 = arith.muli %mul3A_229, %scan3A_182 : i32
      "tpu.region"() ({
        %run_scoped3A_282 = tpu.sem_alloc : memref<!tpu.dma_semaphore, #tpu.memory_space<semaphore_mem>>
        %dma_start3A_283 = arith.constant 0 : i32
        %dma_start3A_284 = tpu.memref_slice %arg7[%mul3A_230, %dma_start3A_283] : memref<125x80xi32, #tpu.memory_space<vmem>> -> memref<1x80xi32, #tpu.memory_space<vmem>>
        %dma_start3A_285 = tpu.memref_squeeze %dma_start3A_284 : memref<1x80xi32, #tpu.memory_space<vmem>> -> memref<80xi32, #tpu.memory_space<vmem>>
        %dma_start3A_286 = arith.constant 0 : i32
        %dma_start3A_287 = arith.constant 0 : i32
        %dma_start3A_288 = tpu.memref_slice %arg11[%dma_start3A_286, %dma_start3A_287] : memref<10000x128xf32, #tpu.memory_space<vmem_shared>> -> memref<10000x128xf32, #tpu.memory_space<vmem_shared>>
        tpu.enqueue_indirect_dma source(%arg8 : memref<80x128xf32, #tpu.memory_space<vmem>>) target(%dma_start3A_288 : memref<10000x128xf32, #tpu.memory_space<vmem_shared>>) offsets(%dma_start3A_285 : memref<80xi32, #tpu.memory_space<vmem>>) semaphore(%run_scoped3A_282 : memref<!tpu.dma_semaphore, #tpu.memory_space<semaphore_mem>>) {add = true}
        %dma_wait3A_289 = arith.constant 0 : i32
        %dma_wait3A_290 = tpu.memref_slice %arg7[%mul3A_230, %dma_wait3A_289] : memref<125x80xi32, #tpu.memory_space<vmem>> -> memref<1x80xi32, #tpu.memory_space<vmem>>
        %dma_wait3A_291 = tpu.memref_squeeze %dma_wait3A_290 : memref<1x80xi32, #tpu.memory_space<vmem>> -> memref<80xi32, #tpu.memory_space<vmem>>
        %dma_wait3A_292 = arith.constant 0 : i32
        %dma_wait3A_293 = arith.constant 0 : i32
        %dma_wait3A_294 = tpu.memref_slice %arg11[%dma_wait3A_292, %dma_wait3A_293] : memref<10000x128xf32, #tpu.memory_space<vmem_shared>> -> memref<10000x128xf32, #tpu.memory_space<vmem_shared>>
        tpu.wait_indirect_dma semaphore(%run_scoped3A_282 : memref<!tpu.dma_semaphore, #tpu.memory_space<semaphore_mem>>) src(%arg8 : memref<80x128xf32, #tpu.memory_space<vmem>>) dst(%dma_wait3A_294 : memref<10000x128xf32, #tpu.memory_space<vmem_shared>>)
        tpu.yield
      }) : () -> ()
      %mul3A_231 = arith.constant 2 : i32
      %mul3A_232 = arith.muli %mul3A_231, %scan3A_182 : i32
      %add3A_233 = arith.constant 2 : i32
      %add3A_234 = arith.addi %mul3A_232, %add3A_233 : i32
      %min3A = arith.constant 124 : i32
      %min3A_235 = arith.minsi %add3A_234, %min3A : i32
      %dma_start3A_236 = arith.constant 0 : i32
      %dma_start3A_237 = arith.constant 0 : i32
      %dma_start3A_238 = tpu.memref_slice %arg8[%dma_start3A_236, %dma_start3A_237] : memref<80x128xf32, #tpu.memory_space<vmem>> -> memref<40x128xf32, #tpu.memory_space<vmem>>
      %dma_start3A_239 = arith.constant 0 : i32
      %dma_start3A_240 = tpu.memref_slice %arg6[%min3A_235, %dma_start3A_239] : memref<125x80xi32, #tpu.memory_space<vmem>> -> memref<1x40xi32, #tpu.memory_space<vmem>>
      %dma_start3A_241 = tpu.memref_squeeze %dma_start3A_240 : memref<1x40xi32, #tpu.memory_space<vmem>> -> memref<40xi32, #tpu.memory_space<vmem>>
      %dma_start3A_242 = arith.constant 0 : i32
      %dma_start3A_243 = arith.constant 0 : i32
      %dma_start3A_244 = tpu.memref_slice %arg2[%dma_start3A_242, %dma_start3A_243] : memref<10000x128xf32, #tpu.memory_space<hbm>> -> memref<10000x128xf32, #tpu.memory_space<hbm>>
      tpu.enqueue_indirect_dma source(%dma_start3A_244 : memref<10000x128xf32, #tpu.memory_space<hbm>>) target(%dma_start3A_238 : memref<40x128xf32, #tpu.memory_space<vmem>>) offsets(%dma_start3A_241 : memref<40xi32, #tpu.memory_space<vmem>>) semaphore(%arg12 : memref<!tpu.dma_semaphore, #tpu.memory_space<semaphore_mem>>)
      %dma_start3A_245 = arith.constant 40 : i32
      %dma_start3A_246 = arith.constant 0 : i32
      %dma_start3A_247 = tpu.memref_slice %arg8[%dma_start3A_245, %dma_start3A_246] : memref<80x128xf32, #tpu.memory_space<vmem>> -> memref<40x128xf32, #tpu.memory_space<vmem>>
      %dma_start3A_248 = arith.constant 40 : i32
      %dma_start3A_249 = tpu.memref_slice %arg6[%min3A_235, %dma_start3A_248] : memref<125x80xi32, #tpu.memory_space<vmem>> -> memref<1x40xi32, #tpu.memory_space<vmem>>
      %dma_start3A_250 = tpu.memref_squeeze %dma_start3A_249 : memref<1x40xi32, #tpu.memory_space<vmem>> -> memref<40xi32, #tpu.memory_space<vmem>>
      %dma_start3A_251 = arith.constant 0 : i32
      %dma_start3A_252 = arith.constant 0 : i32
      %dma_start3A_253 = tpu.memref_slice %arg2[%dma_start3A_251, %dma_start3A_252] : memref<10000x128xf32, #tpu.memory_space<hbm>> -> memref<10000x128xf32, #tpu.memory_space<hbm>>
      tpu.enqueue_indirect_dma source(%dma_start3A_253 : memref<10000x128xf32, #tpu.memory_space<hbm>>) target(%dma_start3A_247 : memref<40x128xf32, #tpu.memory_space<vmem>>) offsets(%dma_start3A_250 : memref<40xi32, #tpu.memory_space<vmem>>) semaphore(%arg13 : memref<!tpu.dma_semaphore, #tpu.memory_space<semaphore_mem>>)
      %dma_wait3A_254 = arith.constant 0 : i32
      %dma_wait3A_255 = arith.constant 0 : i32
      %dma_wait3A_256 = tpu.memref_slice %arg9[%dma_wait3A_254, %dma_wait3A_255] : memref<80x128xf32, #tpu.memory_space<vmem>> -> memref<40x128xf32, #tpu.memory_space<vmem>>
      %dma_wait3A_257 = arith.constant 0 : i32
      %dma_wait3A_258 = arith.constant 0 : i32
      %dma_wait3A_259 = tpu.memref_slice %arg2[%dma_wait3A_257, %dma_wait3A_258] : memref<10000x128xf32, #tpu.memory_space<hbm>> -> memref<40x128xf32, #tpu.memory_space<hbm>>
      %dma_wait3A_260 = arith.constant 0 : i32
      %dma_wait3A_261 = arith.constant 0 : i32
      %dma_wait3A_262 = tpu.memref_slice %arg9[%dma_wait3A_260, %dma_wait3A_261] : memref<80x128xf32, #tpu.memory_space<vmem>> -> memref<40x128xf32, #tpu.memory_space<vmem>>
      %dma_wait3A_263 = arith.constant 0 : i32
      %dma_wait3A_264 = arith.constant 0 : i32
      %dma_wait3A_265 = tpu.memref_slice %arg2[%dma_wait3A_263, %dma_wait3A_264] : memref<10000x128xf32, #tpu.memory_space<hbm>> -> memref<40x128xf32, #tpu.memory_space<hbm>>
      tpu.wait_dma2 semaphore(%arg14 : memref<!tpu.dma_semaphore, #tpu.memory_space<semaphore_mem>>) src(%dma_wait3A_265 : memref<40x128xf32, #tpu.memory_space<hbm>>) dst(%dma_wait3A_262 : memref<40x128xf32, #tpu.memory_space<vmem>>)
      %dma_wait3A_266 = arith.constant 40 : i32
      %dma_wait3A_267 = arith.constant 0 : i32
      %dma_wait3A_268 = tpu.memref_slice %arg9[%dma_wait3A_266, %dma_wait3A_267] : memref<80x128xf32, #tpu.memory_space<vmem>> -> memref<40x128xf32, #tpu.memory_space<vmem>>
      %dma_wait3A_269 = arith.constant 0 : i32
      %dma_wait3A_270 = arith.constant 0 : i32
      %dma_wait3A_271 = tpu.memref_slice %arg2[%dma_wait3A_269, %dma_wait3A_270] : memref<10000x128xf32, #tpu.memory_space<hbm>> -> memref<40x128xf32, #tpu.memory_space<hbm>>
      %dma_wait3A_272 = arith.constant 40 : i32
      %dma_wait3A_273 = arith.constant 0 : i32
      %dma_wait3A_274 = tpu.memref_slice %arg9[%dma_wait3A_272, %dma_wait3A_273] : memref<80x128xf32, #tpu.memory_space<vmem>> -> memref<40x128xf32, #tpu.memory_space<vmem>>
      %dma_wait3A_275 = arith.constant 0 : i32
      %dma_wait3A_276 = arith.constant 0 : i32
      %dma_wait3A_277 = tpu.memref_slice %arg2[%dma_wait3A_275, %dma_wait3A_276] : memref<10000x128xf32, #tpu.memory_space<hbm>> -> memref<40x128xf32, #tpu.memory_space<hbm>>
      tpu.wait_dma2 semaphore(%arg15 : memref<!tpu.dma_semaphore, #tpu.memory_space<semaphore_mem>>) src(%dma_wait3A_277 : memref<40x128xf32, #tpu.memory_space<hbm>>) dst(%dma_wait3A_274 : memref<40x128xf32, #tpu.memory_space<vmem>>)
      %mul3A_278 = arith.constant 2 : i32
      %mul3A_279 = arith.muli %mul3A_278, %scan3A_182 : i32
      %add3A_280 = arith.constant 1 : i32
      %add3A_281 = arith.addi %mul3A_279, %add3A_280 : i32
      "tpu.region"() ({
        %run_scoped3A_282 = tpu.sem_alloc : memref<!tpu.dma_semaphore, #tpu.memory_space<semaphore_mem>>
        %dma_start3A_283 = arith.constant 0 : i32
        %dma_start3A_284 = tpu.memref_slice %arg7[%add3A_281, %dma_start3A_283] : memref<125x80xi32, #tpu.memory_space<vmem>> -> memref<1x80xi32, #tpu.memory_space<vmem>>
        %dma_start3A_285 = tpu.memref_squeeze %dma_start3A_284 : memref<1x80xi32, #tpu.memory_space<vmem>> -> memref<80xi32, #tpu.memory_space<vmem>>
        %dma_start3A_286 = arith.constant 0 : i32
        %dma_start3A_287 = arith.constant 0 : i32
        %dma_start3A_288 = tpu.memref_slice %arg11[%dma_start3A_286, %dma_start3A_287] : memref<10000x128xf32, #tpu.memory_space<vmem_shared>> -> memref<10000x128xf32, #tpu.memory_space<vmem_shared>>
        tpu.enqueue_indirect_dma source(%arg9 : memref<80x128xf32, #tpu.memory_space<vmem>>) target(%dma_start3A_288 : memref<10000x128xf32, #tpu.memory_space<vmem_shared>>) offsets(%dma_start3A_285 : memref<80xi32, #tpu.memory_space<vmem>>) semaphore(%run_scoped3A_282 : memref<!tpu.dma_semaphore, #tpu.memory_space<semaphore_mem>>) {add = true}
        %dma_wait3A_289 = arith.constant 0 : i32
        %dma_wait3A_290 = tpu.memref_slice %arg7[%add3A_281, %dma_wait3A_289] : memref<125x80xi32, #tpu.memory_space<vmem>> -> memref<1x80xi32, #tpu.memory_space<vmem>>
        %dma_wait3A_291 = tpu.memref_squeeze %dma_wait3A_290 : memref<1x80xi32, #tpu.memory_space<vmem>> -> memref<80xi32, #tpu.memory_space<vmem>>
        %dma_wait3A_292 = arith.constant 0 : i32
        %dma_wait3A_293 = arith.constant 0 : i32
        %dma_wait3A_294 = tpu.memref_slice %arg11[%dma_wait3A_292, %dma_wait3A_293] : memref<10000x128xf32, #tpu.memory_space<vmem_shared>> -> memref<10000x128xf32, #tpu.memory_space<vmem_shared>>
        tpu.wait_indirect_dma semaphore(%run_scoped3A_282 : memref<!tpu.dma_semaphore, #tpu.memory_space<semaphore_mem>>) src(%arg9 : memref<80x128xf32, #tpu.memory_space<vmem>>) dst(%dma_wait3A_294 : memref<10000x128xf32, #tpu.memory_space<vmem_shared>>)
        tpu.yield
      }) : () -> ()
    }
    %scan3A_152 = arith.constant 62 : i32
    %dma_wait3A_153 = arith.constant 0 : i32
    %dma_wait3A_154 = arith.constant 0 : i32
    %dma_wait3A_155 = tpu.memref_slice %arg8[%dma_wait3A_153, %dma_wait3A_154] : memref<80x128xf32, #tpu.memory_space<vmem>> -> memref<40x128xf32, #tpu.memory_space<vmem>>
    %dma_wait3A_156 = arith.constant 0 : i32
    %dma_wait3A_157 = arith.constant 0 : i32
    %dma_wait3A_158 = tpu.memref_slice %arg2[%dma_wait3A_156, %dma_wait3A_157] : memref<10000x128xf32, #tpu.memory_space<hbm>> -> memref<40x128xf32, #tpu.memory_space<hbm>>
    %dma_wait3A_159 = arith.constant 0 : i32
    %dma_wait3A_160 = arith.constant 0 : i32
    %dma_wait3A_161 = tpu.memref_slice %arg8[%dma_wait3A_159, %dma_wait3A_160] : memref<80x128xf32, #tpu.memory_space<vmem>> -> memref<40x128xf32, #tpu.memory_space<vmem>>
    %dma_wait3A_162 = arith.constant 0 : i32
    %dma_wait3A_163 = arith.constant 0 : i32
    %dma_wait3A_164 = tpu.memref_slice %arg2[%dma_wait3A_162, %dma_wait3A_163] : memref<10000x128xf32, #tpu.memory_space<hbm>> -> memref<40x128xf32, #tpu.memory_space<hbm>>
    tpu.wait_dma2 semaphore(%arg12 : memref<!tpu.dma_semaphore, #tpu.memory_space<semaphore_mem>>) src(%dma_wait3A_164 : memref<40x128xf32, #tpu.memory_space<hbm>>) dst(%dma_wait3A_161 : memref<40x128xf32, #tpu.memory_space<vmem>>)
    %dma_wait3A_165 = arith.constant 40 : i32
    %dma_wait3A_166 = arith.constant 0 : i32
    %dma_wait3A_167 = tpu.memref_slice %arg8[%dma_wait3A_165, %dma_wait3A_166] : memref<80x128xf32, #tpu.memory_space<vmem>> -> memref<40x128xf32, #tpu.memory_space<vmem>>
    %dma_wait3A_168 = arith.constant 0 : i32
    %dma_wait3A_169 = arith.constant 0 : i32
    %dma_wait3A_170 = tpu.memref_slice %arg2[%dma_wait3A_168, %dma_wait3A_169] : memref<10000x128xf32, #tpu.memory_space<hbm>> -> memref<40x128xf32, #tpu.memory_space<hbm>>
    %dma_wait3A_171 = arith.constant 40 : i32
    %dma_wait3A_172 = arith.constant 0 : i32
    %dma_wait3A_173 = tpu.memref_slice %arg8[%dma_wait3A_171, %dma_wait3A_172] : memref<80x128xf32, #tpu.memory_space<vmem>> -> memref<40x128xf32, #tpu.memory_space<vmem>>
    %dma_wait3A_174 = arith.constant 0 : i32
    %dma_wait3A_175 = arith.constant 0 : i32
    %dma_wait3A_176 = tpu.memref_slice %arg2[%dma_wait3A_174, %dma_wait3A_175] : memref<10000x128xf32, #tpu.memory_space<hbm>> -> memref<40x128xf32, #tpu.memory_space<hbm>>
    tpu.wait_dma2 semaphore(%arg13 : memref<!tpu.dma_semaphore, #tpu.memory_space<semaphore_mem>>) src(%dma_wait3A_176 : memref<40x128xf32, #tpu.memory_space<hbm>>) dst(%dma_wait3A_173 : memref<40x128xf32, #tpu.memory_space<vmem>>)
    %run_scoped3A = arith.constant 124 : i32
    "tpu.region"() ({
      %run_scoped3A_182 = tpu.sem_alloc : memref<!tpu.dma_semaphore, #tpu.memory_space<semaphore_mem>>
      %dma_start3A_183 = arith.constant 0 : i32
      %dma_start3A_184 = tpu.memref_slice %arg7[%run_scoped3A, %dma_start3A_183] : memref<125x80xi32, #tpu.memory_space<vmem>> -> memref<1x80xi32, #tpu.memory_space<vmem>>
      %dma_start3A_185 = tpu.memref_squeeze %dma_start3A_184 : memref<1x80xi32, #tpu.memory_space<vmem>> -> memref<80xi32, #tpu.memory_space<vmem>>
      %dma_start3A_186 = arith.constant 0 : i32
      %dma_start3A_187 = arith.constant 0 : i32
      %dma_start3A_188 = tpu.memref_slice %arg11[%dma_start3A_186, %dma_start3A_187] : memref<10000x128xf32, #tpu.memory_space<vmem_shared>> -> memref<10000x128xf32, #tpu.memory_space<vmem_shared>>
      tpu.enqueue_indirect_dma source(%arg8 : memref<80x128xf32, #tpu.memory_space<vmem>>) target(%dma_start3A_188 : memref<10000x128xf32, #tpu.memory_space<vmem_shared>>) offsets(%dma_start3A_185 : memref<80xi32, #tpu.memory_space<vmem>>) semaphore(%run_scoped3A_182 : memref<!tpu.dma_semaphore, #tpu.memory_space<semaphore_mem>>) {add = true}
      %dma_wait3A_189 = arith.constant 0 : i32
      %dma_wait3A_190 = tpu.memref_slice %arg7[%run_scoped3A, %dma_wait3A_189] : memref<125x80xi32, #tpu.memory_space<vmem>> -> memref<1x80xi32, #tpu.memory_space<vmem>>
      %dma_wait3A_191 = tpu.memref_squeeze %dma_wait3A_190 : memref<1x80xi32, #tpu.memory_space<vmem>> -> memref<80xi32, #tpu.memory_space<vmem>>
      %dma_wait3A_192 = arith.constant 0 : i32
      %dma_wait3A_193 = arith.constant 0 : i32
      %dma_wait3A_194 = tpu.memref_slice %arg11[%dma_wait3A_192, %dma_wait3A_193] : memref<10000x128xf32, #tpu.memory_space<vmem_shared>> -> memref<10000x128xf32, #tpu.memory_space<vmem_shared>>
      tpu.wait_indirect_dma semaphore(%run_scoped3A_182 : memref<!tpu.dma_semaphore, #tpu.memory_space<semaphore_mem>>) src(%arg8 : memref<80x128xf32, #tpu.memory_space<vmem>>) dst(%dma_wait3A_194 : memref<10000x128xf32, #tpu.memory_space<vmem_shared>>)
      tpu.yield
    }) : () -> ()
    %barrier3A_177 = arith.constant 0 : index
    tpu.barrier barrier_id(%barrier3A_177)
    %mul3A_178 = arith.constant 625 : i32
    %mul3A_179 = arith.muli %arg1, %mul3A_178 : i32
    %mul3A_180 = arith.constant 625 : i32
    %mul3A_181 = arith.muli %arg1, %mul3A_180 : i32
    "tpu.region"() ({
      %run_scoped3A_182 = tpu.sem_alloc : memref<!tpu.dma_semaphore, #tpu.memory_space<semaphore_mem>>
      %dma_start3A_183 = arith.constant 0 : i32
      %dma_start3A_184 = tpu.memref_slice %arg5[%arg0, %mul3A_181, %dma_start3A_183] : memref<2x10000x128xf32, #tpu.memory_space<hbm>> -> memref<1x625x128xf32, #tpu.memory_space<hbm>>
      %dma_start3A_185 = tpu.memref_squeeze %dma_start3A_184 : memref<1x625x128xf32, #tpu.memory_space<hbm>> -> memref<625x128xf32, #tpu.memory_space<hbm>>
      %dma_start3A_186 = arith.constant 0 : i32
      %dma_start3A_187 = tpu.memref_slice %arg11[%mul3A_179, %dma_start3A_186] : memref<10000x128xf32, #tpu.memory_space<vmem_shared>> -> memref<625x128xf32, #tpu.memory_space<vmem_shared>>
      tpu.enqueue_dma source(%dma_start3A_187 : memref<625x128xf32, #tpu.memory_space<vmem_shared>>) target(%dma_start3A_185 : memref<625x128xf32, #tpu.memory_space<hbm>>) target_semaphore(%run_scoped3A_182 : memref<!tpu.dma_semaphore, #tpu.memory_space<semaphore_mem>>)
      %dma_wait3A_188 = arith.constant 0 : i32
      %dma_wait3A_189 = tpu.memref_slice %arg5[%arg0, %mul3A_181, %dma_wait3A_188] : memref<2x10000x128xf32, #tpu.memory_space<hbm>> -> memref<1x625x128xf32, #tpu.memory_space<hbm>>
      %dma_wait3A_190 = tpu.memref_squeeze %dma_wait3A_189 : memref<1x625x128xf32, #tpu.memory_space<hbm>> -> memref<625x128xf32, #tpu.memory_space<hbm>>
      %dma_wait3A_191 = arith.constant 0 : i32
      %dma_wait3A_192 = tpu.memref_slice %arg11[%mul3A_179, %dma_wait3A_191] : memref<10000x128xf32, #tpu.memory_space<vmem_shared>> -> memref<625x128xf32, #tpu.memory_space<vmem_shared>>
      tpu.wait_dma2 semaphore(%run_scoped3A_182 : memref<!tpu.dma_semaphore, #tpu.memory_space<semaphore_mem>>) src(%dma_wait3A_192 : memref<625x128xf32, #tpu.memory_space<vmem_shared>>) dst(%dma_wait3A_190 : memref<625x128xf32, #tpu.memory_space<hbm>>)
      tpu.yield
    }) : () -> ()
    return
  }
}

module attributes {stable_mosaic.version = 14 : i64} {
  func.func @prep_body(%arg0: i32, %arg1: memref<2000x128xf32, #tpu.memory_space<vmem>>, %arg2: memref<2000x32xf32, #tpu.memory_space<vmem>>, %arg3: memref<2000x128xf32, #tpu.memory_space<vmem>>, %arg4: memref<2000x1xf32, #tpu.memory_space<vmem>>) attributes {dimension_semantics = [#tpu.dimension_semantics<arbitrary>], iteration_bounds = array<i64: 5>, scalar_prefetch = 0 : i64, scratch_operands = 0 : i64, tpu.core_type = #tpu.core_type<tc>, window_params = [{transform_indices = @transform_0, window_bounds = array<i64: 2000, 128>}, {transform_indices = @transform_1, window_bounds = array<i64: 2000, 32>}, {transform_indices = @transform_2, window_bounds = array<i64: 2000, 128>}, {transform_indices = @transform_3, window_bounds = array<i64: 2000, 1>}]} {
    %get3A = arith.constant 0 : index
    %get3A_0 = arith.constant 0 : index
    %get3A_1 = vector.load %arg2[%get3A, %get3A_0] : memref<2000x32xf32, #tpu.memory_space<vmem>>, vector<2000x32xf32>
    %reduce_sum3A = arith.constant dense<0.000000e+00> : vector<2000xf32>
    %reduce_sum3A_2 = vector.multi_reduction <add>, %get3A_1, %reduce_sum3A [1] : vector<2000x32xf32> to vector<2000xf32>
    %broadcast_in_dim3A = vector.shape_cast %reduce_sum3A_2 : vector<2000xf32> to vector<2000x1xf32>
    %rsqrt3A = math.rsqrt %broadcast_in_dim3A : vector<2000x1xf32>
    %swap3A = arith.constant 0 : index
    %swap3A_3 = arith.constant 0 : index
    %swap3A_4 = vector.load %arg4[%swap3A, %swap3A_3] : memref<2000x1xf32, #tpu.memory_space<vmem>>, vector<2000x1xf32>
    tpu.vector_store %arg4[%swap3A, %swap3A_3], %rsqrt3A {strides = array<i32>} : memref<2000x1xf32, #tpu.memory_space<vmem>>, vector<2000x1xf32>,
    %get3A_5 = arith.constant 0 : index
    %get3A_6 = arith.constant 0 : index
    %get3A_7 = vector.load %arg1[%get3A_5, %get3A_6] : memref<2000x128xf32, #tpu.memory_space<vmem>>, vector<2000x128xf32>
    %mul3A = vector.broadcast %rsqrt3A : vector<2000x1xf32> to vector<2000x128xf32>
    %mul3A_8 = arith.mulf %get3A_7, %mul3A : vector<2000x128xf32>
    %swap3A_9 = arith.constant 0 : index
    %swap3A_10 = arith.constant 0 : index
    %swap3A_11 = vector.load %arg3[%swap3A_9, %swap3A_10] : memref<2000x128xf32, #tpu.memory_space<vmem>>, vector<2000x128xf32>
    tpu.vector_store %arg3[%swap3A_9, %swap3A_10], %mul3A_8 {strides = array<i32>} : memref<2000x128xf32, #tpu.memory_space<vmem>>, vector<2000x128xf32>,
    return
  }
  func.func @transform_0(%arg0: i32) -> (i32, i32) {
    %c0_i32 = arith.constant 0 : i32
    %c0_i32_0 = arith.constant 0 : i32
    return %arg0, %c0_i32 : i32, i32
  }
  func.func @transform_1(%arg0: i32) -> (i32, i32) {
    %c0_i32 = arith.constant 0 : i32
    %c0_i32_0 = arith.constant 0 : i32
    return %arg0, %c0_i32 : i32, i32
  }
  func.func @transform_2(%arg0: i32) -> (i32, i32) {
    %c0_i32 = arith.constant 0 : i32
    %c0_i32_0 = arith.constant 0 : i32
    return %arg0, %c0_i32 : i32, i32
  }
  func.func @transform_3(%arg0: i32) -> (i32, i32) {
    %c0_i32 = arith.constant 0 : i32
    %c0_i32_0 = arith.constant 0 : i32
    return %arg0, %c0_i32 : i32, i32
  }
}

module attributes {stable_mosaic.version = 14 : i64} {
  func.func @final_body(%arg0: i32, %arg1: memref<2000x128xf32, #tpu.memory_space<vmem>>, %arg2: memref<2x2000x128xf32, #tpu.memory_space<vmem>>, %arg3: memref<2000x1xf32, #tpu.memory_space<vmem>>, %arg4: memref<128x128xf32, #tpu.memory_space<vmem>>, %arg5: memref<128x128xf32, #tpu.memory_space<vmem>>, %arg6: memref<128x128xf32, #tpu.memory_space<vmem>>, %arg7: memref<128x1xf32, #tpu.memory_space<vmem>>, %arg8: memref<128x1xf32, #tpu.memory_space<vmem>>, %arg9: memref<128x1xf32, #tpu.memory_space<vmem>>, %arg10: memref<3x3xf32, #tpu.memory_space<smem>>, %arg11: memref<2000x128xf32, #tpu.memory_space<vmem>>) attributes {dimension_semantics = [#tpu.dimension_semantics<arbitrary>], iteration_bounds = array<i64: 5>, scalar_prefetch = 0 : i64, scratch_operands = 0 : i64, tpu.core_type = #tpu.core_type<tc>, window_params = [{transform_indices = @transform_0, window_bounds = array<i64: 2000, 128>}, {transform_indices = @transform_1, window_bounds = array<i64: 2, 2000, 128>}, {transform_indices = @transform_2, window_bounds = array<i64: 2000, 1>}, {pipeline_mode = #tpu.pipeline_mode<synchronous>, transform_indices = @transform_3, window_bounds = array<i64: 128, 128>}, {pipeline_mode = #tpu.pipeline_mode<synchronous>, transform_indices = @transform_4, window_bounds = array<i64: 128, 128>}, {pipeline_mode = #tpu.pipeline_mode<synchronous>, transform_indices = @transform_5, window_bounds = array<i64: 128, 128>}, {pipeline_mode = #tpu.pipeline_mode<synchronous>, transform_indices = @transform_6, window_bounds = array<i64: 128, 1>}, {pipeline_mode = #tpu.pipeline_mode<synchronous>, transform_indices = @transform_7, window_bounds = array<i64: 128, 1>}, {pipeline_mode = #tpu.pipeline_mode<synchronous>, transform_indices = @transform_8, window_bounds = array<i64: 128, 1>}, {transform_indices = @transform_9, window_bounds = array<i64: 3, 3>}, {transform_indices = @transform_10, window_bounds = array<i64: 2000, 128>}]} {
    %get3A = arith.constant 0 : index
    %get3A_0 = arith.constant 0 : index
    %get3A_1 = vector.load %arg3[%get3A, %get3A_0] : memref<2000x1xf32, #tpu.memory_space<vmem>>, vector<2000x1xf32>
    %get3A_2 = arith.constant 0 : index
    %get3A_3 = arith.constant 0 : index
    %get3A_4 = arith.constant 0 : index
    %get3A_5 = vector.load %arg2[%get3A_2, %get3A_3, %get3A_4] : memref<2x2000x128xf32, #tpu.memory_space<vmem>>, vector<1x2000x128xf32>
    %get3A_6 = vector.shape_cast %get3A_5 : vector<1x2000x128xf32> to vector<2000x128xf32>
    %get3A_7 = arith.constant 1 : index
    %get3A_8 = arith.constant 0 : index
    %get3A_9 = arith.constant 0 : index
    %get3A_10 = vector.load %arg2[%get3A_7, %get3A_8, %get3A_9] : memref<2x2000x128xf32, #tpu.memory_space<vmem>>, vector<1x2000x128xf32>
    %get3A_11 = vector.shape_cast %get3A_10 : vector<1x2000x128xf32> to vector<2000x128xf32>
    %add3A = arith.addf %get3A_6, %get3A_11 : vector<2000x128xf32>
    %mul3A = vector.broadcast %get3A_1 : vector<2000x1xf32> to vector<2000x128xf32>
    %mul3A_12 = arith.mulf %add3A, %mul3A : vector<2000x128xf32>
    %get3A_13 = arith.constant 0 : index
    %get3A_14 = arith.constant 0 : index
    %get3A_15 = vector.load %arg1[%get3A_13, %get3A_14] : memref<2000x128xf32, #tpu.memory_space<vmem>>, vector<2000x128xf32>
    %sub3A = arith.subf %get3A_15, %mul3A_12 : vector<2000x128xf32>
    %get3A_16 = arith.constant 0 : index
    %get3A_17 = arith.constant 0 : index
    %get3A_18 = vector.load %arg4[%get3A_16, %get3A_17] : memref<128x128xf32, #tpu.memory_space<vmem>>, vector<128x128xf32>
    %dot_general3A = arith.constant dense<0.000000e+00> : vector<2000x128xf32>
    %dot_general3A_19 = tpu.matmul %mul3A_12, %get3A_18, %dot_general3A {dimension_numbers = #tpu.dot_dimension_numbers<[1], [0], [0], [1], [0, 0, 1, 1], [], []>, transpose_lhs_hint = false} : vector<2000x128xf32>, vector<128x128xf32>, vector<2000x128xf32> -> vector<2000x128xf32>
    %max3A = arith.constant 0.000000e+00 : f32
    %max3A_20 = vector.broadcast %max3A : f32 to vector<2000x128xf32>
    %max3A_21 = arith.maximumf %dot_general3A_19, %max3A_20 : vector<2000x128xf32>
    %get3A_22 = arith.constant 0 : index
    %get3A_23 = arith.constant 0 : index
    %get3A_24 = vector.load %arg5[%get3A_22, %get3A_23] : memref<128x128xf32, #tpu.memory_space<vmem>>, vector<128x128xf32>
    %dot_general3A_25 = arith.constant dense<0.000000e+00> : vector<2000x128xf32>
    %dot_general3A_26 = tpu.matmul %sub3A, %get3A_24, %dot_general3A_25 {dimension_numbers = #tpu.dot_dimension_numbers<[1], [0], [0], [1], [0, 0, 1, 1], [], []>, transpose_lhs_hint = false} : vector<2000x128xf32>, vector<128x128xf32>, vector<2000x128xf32> -> vector<2000x128xf32>
    %max3A_27 = arith.constant 0.000000e+00 : f32
    %max3A_28 = vector.broadcast %max3A_27 : f32 to vector<2000x128xf32>
    %max3A_29 = arith.maximumf %dot_general3A_26, %max3A_28 : vector<2000x128xf32>
    %get3A_30 = arith.constant 0 : index
    %get3A_31 = arith.constant 0 : index
    %get3A_32 = vector.load %arg6[%get3A_30, %get3A_31] : memref<128x128xf32, #tpu.memory_space<vmem>>, vector<128x128xf32>
    %dot_general3A_33 = arith.constant dense<0.000000e+00> : vector<2000x128xf32>
    %dot_general3A_34 = tpu.matmul %get3A_15, %get3A_32, %dot_general3A_33 {dimension_numbers = #tpu.dot_dimension_numbers<[1], [0], [0], [1], [0, 0, 1, 1], [], []>, transpose_lhs_hint = false} : vector<2000x128xf32>, vector<128x128xf32>, vector<2000x128xf32> -> vector<2000x128xf32>
    %max3A_35 = arith.constant 0.000000e+00 : f32
    %max3A_36 = vector.broadcast %max3A_35 : f32 to vector<2000x128xf32>
    %max3A_37 = arith.maximumf %dot_general3A_34, %max3A_36 : vector<2000x128xf32>
    %get3A_38 = arith.constant 0 : index
    %get3A_39 = arith.constant 0 : index
    %get3A_40 = vector.load %arg7[%get3A_38, %get3A_39] : memref<128x1xf32, #tpu.memory_space<vmem>>, vector<128x1xf32>
    %dot_general3A_41 = arith.constant dense<0.000000e+00> : vector<2000x1xf32>
    %dot_general3A_42 = tpu.matmul %max3A_21, %get3A_40, %dot_general3A_41 {dimension_numbers = #tpu.dot_dimension_numbers<[1], [0], [0], [1], [0, 0, 1, 1], [], []>, transpose_lhs_hint = false} : vector<2000x128xf32>, vector<128x1xf32>, vector<2000x1xf32> -> vector<2000x1xf32>
    %get3A_43 = arith.constant 0 : index
    %get3A_44 = arith.constant 0 : index
    %get3A_45 = vector.load %arg8[%get3A_43, %get3A_44] : memref<128x1xf32, #tpu.memory_space<vmem>>, vector<128x1xf32>
    %dot_general3A_46 = arith.constant dense<0.000000e+00> : vector<2000x1xf32>
    %dot_general3A_47 = tpu.matmul %max3A_29, %get3A_45, %dot_general3A_46 {dimension_numbers = #tpu.dot_dimension_numbers<[1], [0], [0], [1], [0, 0, 1, 1], [], []>, transpose_lhs_hint = false} : vector<2000x128xf32>, vector<128x1xf32>, vector<2000x1xf32> -> vector<2000x1xf32>
    %get3A_48 = arith.constant 0 : index
    %get3A_49 = arith.constant 0 : index
    %get3A_50 = vector.load %arg9[%get3A_48, %get3A_49] : memref<128x1xf32, #tpu.memory_space<vmem>>, vector<128x1xf32>
    %dot_general3A_51 = arith.constant dense<0.000000e+00> : vector<2000x1xf32>
    %dot_general3A_52 = tpu.matmul %max3A_37, %get3A_50, %dot_general3A_51 {dimension_numbers = #tpu.dot_dimension_numbers<[1], [0], [0], [1], [0, 0, 1, 1], [], []>, transpose_lhs_hint = false} : vector<2000x128xf32>, vector<128x1xf32>, vector<2000x1xf32> -> vector<2000x1xf32>
    %neg3A = arith.constant 0.000000e+00 : f32
    %neg3A_53 = vector.broadcast %neg3A : f32 to vector<2000x1xf32>
    %neg3A_54 = arith.subf %neg3A_53, %dot_general3A_42 : vector<2000x1xf32>
    %exp3A = math.exp %neg3A_54 : vector<2000x1xf32>
    %add3A_55 = arith.constant 1.000000e+00 : f32
    %add3A_56 = vector.broadcast %add3A_55 : f32 to vector<2000x1xf32>
    %add3A_57 = arith.addf %add3A_56, %exp3A : vector<2000x1xf32>
    %div3A = arith.constant 1.000000e+00 : f32
    %div3A_58 = vector.broadcast %div3A : f32 to vector<2000x1xf32>
    %div3A_59 = arith.divf %div3A_58, %add3A_57 : vector<2000x1xf32>
    %neg3A_60 = arith.constant 0.000000e+00 : f32
    %neg3A_61 = vector.broadcast %neg3A_60 : f32 to vector<2000x1xf32>
    %neg3A_62 = arith.subf %neg3A_61, %dot_general3A_47 : vector<2000x1xf32>
    %exp3A_63 = math.exp %neg3A_62 : vector<2000x1xf32>
    %add3A_64 = arith.constant 1.000000e+00 : f32
    %add3A_65 = vector.broadcast %add3A_64 : f32 to vector<2000x1xf32>
    %add3A_66 = arith.addf %add3A_65, %exp3A_63 : vector<2000x1xf32>
    %div3A_67 = arith.constant 1.000000e+00 : f32
    %div3A_68 = vector.broadcast %div3A_67 : f32 to vector<2000x1xf32>
    %div3A_69 = arith.divf %div3A_68, %add3A_66 : vector<2000x1xf32>
    %neg3A_70 = arith.constant 0.000000e+00 : f32
    %neg3A_71 = vector.broadcast %neg3A_70 : f32 to vector<2000x1xf32>
    %neg3A_72 = arith.subf %neg3A_71, %dot_general3A_52 : vector<2000x1xf32>
    %exp3A_73 = math.exp %neg3A_72 : vector<2000x1xf32>
    %add3A_74 = arith.constant 1.000000e+00 : f32
    %add3A_75 = vector.broadcast %add3A_74 : f32 to vector<2000x1xf32>
    %add3A_76 = arith.addf %add3A_75, %exp3A_73 : vector<2000x1xf32>
    %div3A_77 = arith.constant 1.000000e+00 : f32
    %div3A_78 = vector.broadcast %div3A_77 : f32 to vector<2000x1xf32>
    %div3A_79 = arith.divf %div3A_78, %add3A_76 : vector<2000x1xf32>
    %get3A_80 = arith.constant 0 : index
    %get3A_81 = arith.constant 0 : index
    %get3A_82 = memref.load %arg10[%get3A_80, %get3A_81] : memref<3x3xf32, #tpu.memory_space<smem>>
    %mul3A_83 = vector.broadcast %get3A_82 : f32 to vector<2000x1xf32>
    %mul3A_84 = arith.mulf %div3A_59, %mul3A_83 : vector<2000x1xf32>
    %get3A_85 = arith.constant 1 : index
    %get3A_86 = arith.constant 0 : index
    %get3A_87 = memref.load %arg10[%get3A_85, %get3A_86] : memref<3x3xf32, #tpu.memory_space<smem>>
    %mul3A_88 = vector.broadcast %get3A_87 : f32 to vector<2000x1xf32>
    %mul3A_89 = arith.mulf %div3A_69, %mul3A_88 : vector<2000x1xf32>
    %add3A_90 = arith.addf %mul3A_84, %mul3A_89 : vector<2000x1xf32>
    %get3A_91 = arith.constant 2 : index
    %get3A_92 = arith.constant 0 : index
    %get3A_93 = memref.load %arg10[%get3A_91, %get3A_92] : memref<3x3xf32, #tpu.memory_space<smem>>
    %mul3A_94 = vector.broadcast %get3A_93 : f32 to vector<2000x1xf32>
    %mul3A_95 = arith.mulf %div3A_79, %mul3A_94 : vector<2000x1xf32>
    %add3A_96 = arith.addf %add3A_90, %mul3A_95 : vector<2000x1xf32>
    %mul3A_97 = arith.constant 0.333333343 : f32
    %mul3A_98 = vector.broadcast %mul3A_97 : f32 to vector<2000x1xf32>
    %mul3A_99 = arith.mulf %add3A_96, %mul3A_98 : vector<2000x1xf32>
    %get3A_100 = arith.constant 0 : index
    %get3A_101 = arith.constant 1 : index
    %get3A_102 = memref.load %arg10[%get3A_100, %get3A_101] : memref<3x3xf32, #tpu.memory_space<smem>>
    %mul3A_103 = vector.broadcast %get3A_102 : f32 to vector<2000x1xf32>
    %mul3A_104 = arith.mulf %div3A_59, %mul3A_103 : vector<2000x1xf32>
    %get3A_105 = arith.constant 1 : index
    %get3A_106 = arith.constant 1 : index
    %get3A_107 = memref.load %arg10[%get3A_105, %get3A_106] : memref<3x3xf32, #tpu.memory_space<smem>>
    %mul3A_108 = vector.broadcast %get3A_107 : f32 to vector<2000x1xf32>
    %mul3A_109 = arith.mulf %div3A_69, %mul3A_108 : vector<2000x1xf32>
    %add3A_110 = arith.addf %mul3A_104, %mul3A_109 : vector<2000x1xf32>
    %get3A_111 = arith.constant 2 : index
    %get3A_112 = arith.constant 1 : index
    %get3A_113 = memref.load %arg10[%get3A_111, %get3A_112] : memref<3x3xf32, #tpu.memory_space<smem>>
    %mul3A_114 = vector.broadcast %get3A_113 : f32 to vector<2000x1xf32>
    %mul3A_115 = arith.mulf %div3A_79, %mul3A_114 : vector<2000x1xf32>
    %add3A_116 = arith.addf %add3A_110, %mul3A_115 : vector<2000x1xf32>
    %mul3A_117 = arith.constant 0.333333343 : f32
    %mul3A_118 = vector.broadcast %mul3A_117 : f32 to vector<2000x1xf32>
    %mul3A_119 = arith.mulf %add3A_116, %mul3A_118 : vector<2000x1xf32>
    %get3A_120 = arith.constant 0 : index
    %get3A_121 = arith.constant 2 : index
    %get3A_122 = memref.load %arg10[%get3A_120, %get3A_121] : memref<3x3xf32, #tpu.memory_space<smem>>
    %mul3A_123 = vector.broadcast %get3A_122 : f32 to vector<2000x1xf32>
    %mul3A_124 = arith.mulf %div3A_59, %mul3A_123 : vector<2000x1xf32>
    %get3A_125 = arith.constant 1 : index
    %get3A_126 = arith.constant 2 : index
    %get3A_127 = memref.load %arg10[%get3A_125, %get3A_126] : memref<3x3xf32, #tpu.memory_space<smem>>
    %mul3A_128 = vector.broadcast %get3A_127 : f32 to vector<2000x1xf32>
    %mul3A_129 = arith.mulf %div3A_69, %mul3A_128 : vector<2000x1xf32>
    %add3A_130 = arith.addf %mul3A_124, %mul3A_129 : vector<2000x1xf32>
    %get3A_131 = arith.constant 2 : index
    %get3A_132 = arith.constant 2 : index
    %get3A_133 = memref.load %arg10[%get3A_131, %get3A_132] : memref<3x3xf32, #tpu.memory_space<smem>>
    %mul3A_134 = vector.broadcast %get3A_133 : f32 to vector<2000x1xf32>
    %mul3A_135 = arith.mulf %div3A_79, %mul3A_134 : vector<2000x1xf32>
    %add3A_136 = arith.addf %add3A_130, %mul3A_135 : vector<2000x1xf32>
    %mul3A_137 = arith.constant 0.333333343 : f32
    %mul3A_138 = vector.broadcast %mul3A_137 : f32 to vector<2000x1xf32>
    %mul3A_139 = arith.mulf %add3A_136, %mul3A_138 : vector<2000x1xf32>
    %max3A_140 = arith.maximumf %mul3A_99, %mul3A_119 : vector<2000x1xf32>
    %max3A_141 = arith.maximumf %max3A_140, %mul3A_139 : vector<2000x1xf32>
    %sub3A_142 = arith.subf %mul3A_99, %max3A_141 : vector<2000x1xf32>
    %exp3A_143 = math.exp %sub3A_142 : vector<2000x1xf32>
    %sub3A_144 = arith.subf %mul3A_119, %max3A_141 : vector<2000x1xf32>
    %exp3A_145 = math.exp %sub3A_144 : vector<2000x1xf32>
    %sub3A_146 = arith.subf %mul3A_139, %max3A_141 : vector<2000x1xf32>
    %exp3A_147 = math.exp %sub3A_146 : vector<2000x1xf32>
    %add3A_148 = arith.addf %exp3A_143, %exp3A_145 : vector<2000x1xf32>
    %add3A_149 = arith.addf %add3A_148, %exp3A_147 : vector<2000x1xf32>
    %div3A_150 = arith.divf %exp3A_143, %add3A_149 : vector<2000x1xf32>
    %mul3A_151 = vector.broadcast %div3A_150 : vector<2000x1xf32> to vector<2000x128xf32>
    %mul3A_152 = arith.mulf %mul3A_151, %max3A_21 : vector<2000x128xf32>
    %div3A_153 = arith.divf %exp3A_145, %add3A_149 : vector<2000x1xf32>
    %mul3A_154 = vector.broadcast %div3A_153 : vector<2000x1xf32> to vector<2000x128xf32>
    %mul3A_155 = arith.mulf %mul3A_154, %max3A_29 : vector<2000x128xf32>
    %add3A_156 = arith.addf %mul3A_152, %mul3A_155 : vector<2000x128xf32>
    %div3A_157 = arith.divf %exp3A_147, %add3A_149 : vector<2000x1xf32>
    %mul3A_158 = vector.broadcast %div3A_157 : vector<2000x1xf32> to vector<2000x128xf32>
    %mul3A_159 = arith.mulf %mul3A_158, %max3A_37 : vector<2000x128xf32>
    %add3A_160 = arith.addf %add3A_156, %mul3A_159 : vector<2000x128xf32>
    %mul3A_161 = arith.constant 3.000000e+00 : f32
    %mul3A_162 = vector.broadcast %mul3A_161 : f32 to vector<2000x128xf32>
    %mul3A_163 = arith.mulf %mul3A_162, %add3A_160 : vector<2000x128xf32>
    %swap3A = arith.constant 0 : index
    %swap3A_164 = arith.constant 0 : index
    %swap3A_165 = vector.load %arg11[%swap3A, %swap3A_164] : memref<2000x128xf32, #tpu.memory_space<vmem>>, vector<2000x128xf32>
    tpu.vector_store %arg11[%swap3A, %swap3A_164], %mul3A_163 {strides = array<i32>} : memref<2000x128xf32, #tpu.memory_space<vmem>>, vector<2000x128xf32>,
    return
  }
  func.func @transform_0(%arg0: i32) -> (i32, i32) {
    %c0_i32 = arith.constant 0 : i32
    %c0_i32_0 = arith.constant 0 : i32
    return %arg0, %c0_i32 : i32, i32
  }
  func.func @transform_1(%arg0: i32) -> (i32, i32, i32) {
    %c0_i32 = arith.constant 0 : i32
    %c0_i32_0 = arith.constant 0 : i32
    %c0_i32_1 = arith.constant 0 : i32
    return %c0_i32, %arg0, %c0_i32_0 : i32, i32, i32
  }
  func.func @transform_2(%arg0: i32) -> (i32, i32) {
    %c0_i32 = arith.constant 0 : i32
    %c0_i32_0 = arith.constant 0 : i32
    return %arg0, %c0_i32 : i32, i32
  }
  func.func @transform_3(%arg0: i32) -> (i32, i32) {
    %c0_i32 = arith.constant 0 : i32
    %c0_i32_0 = arith.constant 0 : i32
    %c0_i32_1 = arith.constant 0 : i32
    return %c0_i32, %c0_i32_0 : i32, i32
  }
  func.func @transform_4(%arg0: i32) -> (i32, i32) {
    %c0_i32 = arith.constant 0 : i32
    %c0_i32_0 = arith.constant 0 : i32
    %c0_i32_1 = arith.constant 0 : i32
    return %c0_i32, %c0_i32_0 : i32, i32
  }
  func.func @transform_5(%arg0: i32) -> (i32, i32) {
    %c0_i32 = arith.constant 0 : i32
    %c0_i32_0 = arith.constant 0 : i32
    %c0_i32_1 = arith.constant 0 : i32
    return %c0_i32, %c0_i32_0 : i32, i32
  }
  func.func @transform_6(%arg0: i32) -> (i32, i32) {
    %c0_i32 = arith.constant 0 : i32
    %c0_i32_0 = arith.constant 0 : i32
    %c0_i32_1 = arith.constant 0 : i32
    return %c0_i32, %c0_i32_0 : i32, i32
  }
  func.func @transform_7(%arg0: i32) -> (i32, i32) {
    %c0_i32 = arith.constant 0 : i32
    %c0_i32_0 = arith.constant 0 : i32
    %c0_i32_1 = arith.constant 0 : i32
    return %c0_i32, %c0_i32_0 : i32, i32
  }
  func.func @transform_8(%arg0: i32) -> (i32, i32) {
    %c0_i32 = arith.constant 0 : i32
    %c0_i32_0 = arith.constant 0 : i32
    %c0_i32_1 = arith.constant 0 : i32
    return %c0_i32, %c0_i32_0 : i32, i32
  }
  func.func @transform_9(%arg0: i32) -> (i32, i32) {
    %c0_i32 = arith.constant 0 : i32
    %c0_i32_0 = arith.constant 0 : i32
    %c0_i32_1 = arith.constant 0 : i32
    return %c0_i32, %c0_i32_0 : i32, i32
  }
  func.func @transform_10(%arg0: i32) -> (i32, i32) {
    %c0_i32 = arith.constant 0 : i32
    %c0_i32_0 = arith.constant 0 : i32
    return %arg0, %c0_i32 : i32, i32
  }
}

</mosaic_0001>

<sc_bundles>
// kernel: kernel.6.cloned.1.call-start
scs
__scs_entry_jumppad:
0x0: {  	(pc) =	sbr.rel $0x88, $3  }
0x1: {  	(tag) =	ssettag $0x0;
	lr =	simm.s32 $0x1  }
0x2: {  	[smem:$0x3F98] =	sst lr;
	_ =	strace $0xD0000000  }
0x3: {  	_ = 	snop  }
0x4: {  	_ = 	snop  }
0x5: {  	_ = 	snop  }
0x6: {  	_ = 	snop  }
0x7: {  	_ = 	snop  }
__scs_overlays_trampoline_lowered:
0x8: {  	[smem:$0x3FA7] =	sst s0  }
0x9: {  	[smem:$0x3FA8] =	sst s1  }
0xa: {  	[smem:$0x3FA9] =	sst s2  }
0xb: {  	[smem:$0x3FAA] =	sst s3  }
0xc: {  	[smem:$0x3FAB] =	sst s4  }
0xd: {  	[smem:$0x3FAC] =	sst s5  }
0xe: {  	[smem:$0x3FAD] =	sst s6  }
0xf: {  	[smem:$0x3FAE] =	sst s7  }
0x10: {  	[smem:$0x3FAF] =	sst s8  }
0x11: {  	[smem:$0x3FB0] =	sst s9;
	s0 =	simm.s32 @!p0 $0x0  }
0x12: {  	s1 =	sld [smem:$0x3F96];
	s0 =	simm.s32 @p0 $0x1  }
0x13: {  	[smem:$0x3FB1] =	sst s0;
	s0 =	simm.s32 @!p1 $0x0  }
0x14: {  	s2 =	sld [smem:$0x3F95];
	s0 =	simm.s32 @p1 $0x1  }
0x15: {  	[smem:$0x3FB2] =	sst s0;
	s0 =	simm.s32 @!p2 $0x0  }
0x16: {  	s3 =	sld [smem:$0x3FDB];
	s0 =	simm.s32 @p2 $0x1  }
0x17: {  	s4 =	simm.s32 $0x1BF5;
	[smem:$0x3FB4] =	sst s0  }
0x18: {  	s0 =	sld [smem:$0x3F97];
	_ =	swait.ge [sflag:s4], $0x0  }
0x19: {  	s7 =	sld [smem:$0x3F98]  }
0x1a: {  	s8 =	sadd.s32 $0xFFFFE003, lr  }
0x1b: {  	s9 =	sadd.s32 $0xFFFFFEF7, lr;
	s5 =	simm.s32 $0xFFFFFFFF;
	p2 =	slt.u32 s8, $0xFFFFF086  }
0x1c: {  	p1 =	slt.u32 s9, $0xF7A;
	s5 =	simm.s32 @!p2 $0x0  }
0x1d: {  	s5 =	simm.s32 @p1 $0x1;
	p0 =	seq.s32 s7, s2  }
0x1e: {  	s7 =	smul.u32 @!p0 $0xF7A, s2;
	p2 =	seq.s32 @!p0 s5, $0x0  }
0x1f: {  	s9 =	smul.u32 $0xF7A, s1;
	s8 =	simm.s32 @!p0 $0x1BF5;
	p2 =	por !p2, p0  }
0x20: {  	[sflag:s8] =	ssyncset.s32 @!p0 $0xFFFFF086;
	s6 =	sadd.s32 @!p0 s3, s7;
	s7 =	simm.s32 @!p0 $0x108  }
0x21: {  	s3 =	sadd.s32 s3, s9;
	s6 =	sadd.s32 @!p0 $0x88, s6;
	s7 =	simm.s32 @p2 $0x1082  }
0x22: {  	[simem:s7], [sflag:s8] =	dma.local @!p0 [hbm:s6], $0xF7A  }
0x23: {  	s9 =	sor.u32 $0xD0000000, s2;
	s6 =	simm.s32 $0x108;
	_ =	swait.ge @!p0 [sflag:s8], $0x0  }
0x24: {  	s3 =	sadd.s32 $0x88, s3;
	s6 =	simm.s32 @!p1 $0x1082;
	[sflag:s4] =	ssyncset.s32 $0xFFFFF086  }
0x25: {  	[simem:s6], [sflag:s4] =	dma.local [hbm:s3], $0xF7A  }
0x26: {  	[smem:$0x3F98] =	sst s1;
	(tag) =	ssettag s2;
	_ =	strace s9  }
0x27: {  	s1 =	sld [smem:$0x3FA8]  }
0x28: {  	s2 =	sld [smem:$0x3FA9]  }
0x29: {  	s4 =	sld [smem:$0x3FAB]  }
0x2a: {  	p0 =	seq.s32 s5, $0x0;
	s5 =	sld [smem:$0x3FAC]  }
0x2b: {  	s6 =	sld [smem:$0x3FAD]  }
0x2c: {  	s7 =	sld [smem:$0x3FAE]  }
0x2d: {  	s3 =	simm.s32 $0x108;
	s8 =	sld [smem:$0x3FAF]  }
0x2e: {  	s3 =	simm.s32 @!p0 $0x1082;
	s9 =	sld [smem:$0x3FB0]  }
0x2f: {  	lr =	sadd.s32 s0, s3;
	s0 =	sld [smem:$0x3FA7]  }
0x30: {  	s3 =	sld [smem:$0x3FAA]  }
0x31: {  	[smem:$0x3FB3] =	sst s10  }
0x32: {  	s10 =	sld [smem:$0x3FB1];
	_ =	sdelay $0x3  }
0x33: {  	p0 =	seq.s32 s10, $0x1;
	s10 =	sld [smem:$0x3FB3];
	_ =	sdelay $0x3  }
0x34: {  	[smem:$0x3FB3] =	sst s10  }
0x35: {  	s10 =	sld [smem:$0x3FB2];
	_ =	sdelay $0x3  }
0x36: {  	p1 =	seq.s32 s10, $0x1;
	s10 =	sld [smem:$0x3FB3];
	_ =	sdelay $0x3  }
0x37: {  	[smem:$0x3FB3] =	sst s10  }
0x38: {  	s10 =	sld [smem:$0x3FB4]  }
0x39: {  	_ = 	snop;
	(pc) =	sbr.ind lr, $3  }
0x3a: {  	_ = 	snop  }
0x3b: {  	_ = 	snop  }
0x3c: {  	p2 =	seq.s32 s10, $0x1;
	s10 =	sld [smem:$0x3FB3]  }
0x3d: {  	_ =	shalt  }
0x3e: {  	_ =	shalt  }
0x3f: {  	_ =	shalt  }
0x40: {  	_ =	shalt  }
0x41: {  	_ =	shalt  }
0x42: {  	_ =	shalt  }
0x43: {  	_ =	shalt  }
0x44: {  	_ =	shalt  }
0x45: {  	_ =	shalt  }
0x46: {  	_ =	shalt  }
0x47: {  	_ =	shalt  }
0x48: {  	_ =	shalt  }
0x49: {  	_ =	shalt  }
0x4a: {  	_ =	shalt  }
0x4b: {  	_ =	shalt  }
0x4c: {  	_ =	shalt  }
0x4d: {  	_ =	shalt  }
0x4e: {  	_ =	shalt  }
0x4f: {  	_ =	shalt  }
0x50: {  	_ =	shalt  }
0x51: {  	_ =	shalt  }
0x52: {  	_ =	shalt  }
0x53: {  	_ =	shalt  }
0x54: {  	_ =	shalt  }
0x55: {  	_ =	shalt  }
0x56: {  	_ =	shalt  }
0x57: {  	_ =	shalt  }
0x58: {  	_ =	shalt  }
0x59: {  	_ =	shalt  }
0x5a: {  	_ =	shalt  }
0x5b: {  	_ =	shalt  }
0x5c: {  	_ =	shalt  }
0x5d: {  	_ =	shalt  }
0x5e: {  	_ =	shalt  }
0x5f: {  	_ =	shalt  }
0x60: {  	_ =	shalt  }
0x61: {  	_ =	shalt  }
0x62: {  	_ =	shalt  }
0x63: {  	_ =	shalt  }
0x64: {  	_ =	shalt  }
0x65: {  	_ =	shalt  }
0x66: {  	_ =	shalt  }
0x67: {  	_ =	shalt  }
0x68: {  	_ =	shalt  }
0x69: {  	_ =	shalt  }
0x6a: {  	_ =	shalt  }
0x6b: {  	_ =	shalt  }
0x6c: {  	_ =	shalt  }
0x6d: {  	_ =	shalt  }
0x6e: {  	_ =	shalt  }
0x6f: {  	_ =	shalt  }
0x70: {  	_ =	shalt  }
0x71: {  	_ =	shalt  }
0x72: {  	_ =	shalt  }
0x73: {  	_ =	shalt  }
0x74: {  	_ =	shalt  }
0x75: {  	_ =	shalt  }
0x76: {  	_ =	shalt  }
0x77: {  	_ =	shalt  }
0x78: {  	_ =	shalt  }
0x79: {  	_ =	shalt  }
0x7a: {  	_ =	shalt  }
0x7b: {  	_ =	shalt  }
0x7c: {  	_ =	shalt  }
0x7d: {  	_ =	shalt  }
0x7e: {  	_ =	shalt  }
0x7f: {  	_ =	shalt  }
0x80: {  	_ =	shalt  }
0x81: {  	_ =	shalt  }
0x82: {  	_ =	shalt  }
0x83: {  	_ =	shalt  }
0x84: {  	_ =	shalt  }
0x85: {  	_ =	shalt  }
0x86: {  	_ =	shalt  }
0x87: {  	_ =	shalt  }
.Lfunc_end0:
.L_simem_size_0:
called_computation_lowered:
.L_overlay_start_0:
0x88: {  	s2 =	sld [smem:$0x3FD9]  }
0x89: {  	s3 =	sld [smem:$0x3FFE];
	_ =	sdelay $0x1  }
0x8a: {  	s1 =	srdreg.scid  }
0x8b: {  	s0 =	sand.u32 $0x1, s1  }
0x8c: {  	s17 =	sshll.u32 s0, $0xA;
	s2 =	sadd.s32 s3, s2  }
0x8d: {  	s2 =	sadd.s32 s2, s17  }
0x8e: {  	[smem:$0x3FBF] =	sst s2  }
0x8f: {  	_ = 	snop  }
0x90: {  	s2 =	sld [smem:$0x3FD0];
	(tm) =	ssettm $0x1  }
0x91: {  	s18 =	sld [smem:$0x3FFB];
	_ =	sdelay $0x3  }
0x92: {  	_ =	strace s18  }
0x93: {  	s3 =	sld [smem:$0x3FFC];
	_ =	sdelay $0x3  }
0x94: {  	_ =	strace s3  }
0x95: {  	s3 =	sld [smem:$0x3FFD];
	_ =	sdelay $0x3  }
0x96: {  	_ =	strace s3  }
0x97: {  	_ =	strace $0x8FFFFFFF  }
0x98: {  	s19 =	sld [smem:$0x3FDB];
	_ =	sdelay $0x1  }
0x99: {  	s4 =	simm.s32 $_scs_section_size  }
0x9a: {  	s5 =	simm.s32 $_size__tile_overlayer_lowered;
	s6 =	simm.s32 $_tile_overlayer_lowered  }
0x9b: {  	s22 =	simm.s32 $0x1BFF;
	s21 =	sshll.u32 s6, $0x1;
	s3 =	sadd.s32 s4, s19  }
0x9c: {  	s7 =	simm.s32 $0x0;
	s20 =	sshll.u32 s5, $0x1;
	s5 =	sadd.s32 s21, s3  }
0x9d: {  	[timem:s7], [sflag:s22] =	dma.local [hbm:s5], s20  }
0x9e: {  	_ =	swait.ge [sflag:s22], s20  }
0x9f: {  	s4 =	ssub.s32 $0x0, s20;
	[sflag:s22] =	ssyncset.done $0x0  }
0xa0: {  	[sflag:s22] =	ssyncadd.s32 s4;
	_ =	sdelay $0x1  }
0xa1: {  	s23 =	simm.s32 $0x1B8B  }
0xa2: {  	_ =	swait.ge [sflag:s23], $0x1  }
0xa3: {  	[sflag:s23] =	ssyncset.done $0x0  }
0xa4: {  	s25 =	simm.s32 $0x1B8E;
	s24 =	sld [smem:$0x3FFE];
	[sflag:s23] =	ssyncadd.s32 $0xFFFFFFFF  }
0xa5: {  	s26 =	simm.s32 $execute0_lowered;
	[smem:$0x3FD2] =	sst s25  }
0xa6: {  	s5 =	sshll.u32 s26, $0x1;
	_ =	strace $0x80000046;
	[dreg:$0x1] =	wrdreg $0xFFFFFFFF  }
0xa7: {  	s28 =	simm.s32 $_size_execute0_lowered;
	s3 =	sadd.s32 s3, s5;
	[dreg:$0x0] =	wrdreg $0x0  }
0xa8: {  	s5 =	sshll.u32 s28, $0x1;
	[dreg:$0x2] =	wrdreg s3  }
0xa9: {  	[dreg:$0x3] =	wrdreg s5  }
0xaa: {  	[dreg:$0x4] =	wrdreg $0xC0  }
0xab: {  	_ =	task [dreg:s7], $0x5FFFF  }
0xac: {  	[dreg:$0x1] =	wrdreg $0xFFFFFFFF  }
0xad: {  	[dreg:$0x0] =	wrdreg $0x60  }
0xae: {  	[dreg:$0x2] =	wrdreg s24  }
0xaf: {  	[dreg:$0x3] =	wrdreg s2  }
0xb0: {  	[dreg:$0x4] =	wrdreg $0x9  }
0xb1: {  	_ =	task.clear_ibuf [dreg:s7], $0x5FFFF;
	_ =	strace $0x90000046  }
0xb2: {  	s29 =	simm.s32 $0x9;
	_ =	strace $0x80000048  }
0xb3: {  	_ =	swait.ge [sflag:s29], $0x1  }
0xb4: {  	[sflag:s29] =	ssyncadd.s32 $0xFFFFFFFF  }
0xb5: {  	_ =	strace $0x90000048  }
0xb6: {  	_ =	sfence  }
0xb7: {  	s30 =	sld [smem:$0x0];
	_ =	sdelay $0x2  }
0xb8: {  	s31 =	sshll.u32 s1, $0xD;
	s1 =	sshrl.u32 s1, $0x2  }
0xb9: {  	s3 =	sand.u32 $0x4000, s31;
	s1 =	sadd.s32 s1, s30  }
0xba: {  	s0 =	sor.u32 s3, s0;
	s1 =	sshll.u32 s1, $0x11  }
0xbb: {  	s0 =	sor.u32 s1, s0  }
0xbc: {  	s0 =	sadd.s32 $0x8F2B, s0  }
0xbd: {  	[sflag:s0] =	ssyncadd.remote.s32 $0x1  }
0xbe: {  	_ =	sfence.sel $0xFFFF  }
0xbf: {  	[dreg:$0x0] =	wrdreg $0xFFFFFFFF;
	(pc) =	sbr.abs _section_cstart, $3  }
0xc0: {  	[dreg:$0x1] =	wrdreg $0xFFFFFFFF  }
0xc1: {  	_ =	task.clear_ibuf [dreg:s7], $0x2FFFF;
	_ =	strace $0x9FFFFFFF  }
0xc2: {  	(tm) =	ssettm $0x7FFFFFFF  }
0xc3: {  	_ =	shalt  }
tec
execute0_lowered:
.L_overlay_start_1:
0x0: {  	(tag) =	ssettag $0x1  }
0x1: {  	s3 =	rddreg [dreg:$0x0];
	s1 =	srdreg.scid  }
0x2: {  	s0 =	stileid.u32;
	s4 =	rddreg [dreg:$0x1]  }
0x3: {  	s8 =	simm.s32 $0x0;
	s5 =	sand.u32 $0x1, s1;
	s2 =	sshll.u32 s0, $0x1  }
0x4: {  	s6 =	sor.u32 s5, s2;
	s2 =	simm.s32 $0x0;
	s5 =	ssub.s32 $0x2, s5  }
0x5: {  	s6 =	smul.u32 $0x4E2, s6;
	[smem:$0x7FF] =	sst s2;
	s7 =	sshrl.u32 s5, $0x1  }
0x6: {  	s1 =	rddreg [dreg:$0x2];
	_ =	strace $0x80000047;
	s5 =	ssub.s32 s5, s7  }
0x7: {  	s7 =	simm.s32 $0x1;
	s3 =	sadd.s32 s6, s3;
	s4 =	sadd.s32 s4, s6  }
0x8: {  	v0 =	vimm.f32 $0.0e+00;
	v1 =	vimm.f32 $1.000000000e+00;
	s5 =	smax.u32 s5, $0x1;
	s6 =	simm.s32 $0x2710;
	s3 =	sadd.s32 $0xBA00, s3  }
.LBB2_1:
0x9: {  	s9 =	simm.s32 $0x40;
	s10 =	simm.s32 $0x0  }
.LBB2_2:
0xa: {  	p0 =	sne.s32 s9, $0x9C00;
	[tilespmem:s10+$0x0] =	vst v0;
	s10 =	smov.u32 s9;
	s9 =	sadd.s32 $0x40, s9  }
.Ltmp0:
0xb: {  	(pc) =	sbr.rel @p0 .LBB2_2-.Ltmp0, $2  }
0xc: {  	_ =	sdelay $0x2  }
0xd: {  	s10 =	sshra.s32 s10, $0x2  }
0xe: {  	[tilespmem:s10+$0x0] =	vst v0;
	s9 =	simm.s32 $0x0  }
0xf: {  	[tilespmem:s6], [sflag:$0x1] =	stream.linear.gather [hbm4b:s3+s9], $0x2710, $0x38;
	[tilespmem:$0x4E20] =	vst v63  }
0x10: {  	_ =	swait.ge [sflag:s7], $0x2710  }
0x11: {  	[sflag:s7] =	ssyncset.done $0x0  }
0x12: {  	s10 =	simm.s32 $0x0;
	s9 =	simm.s32 $0x40;
	[sflag:s7] =	ssyncadd.s32 $0xFFFFD8F0  }
.LBB2_4:
0x13: {  	p0 =	sne.s32 s9, $0x9C00;
	v2 =	vld [tilespmem:s10+$0x2710];
	_ =	sdelay $0x3  }
.Ltmp1:
0x14: {  	(pc) =	sbr.rel @p0 .LBB2_4-.Ltmp1, $2  }
0x15: {  	_ =	sdelay $0x2  }
0x16: {  	s10 =	sshra.s32 s9, $0x2;
	s9 =	sadd.s32 $0x40, s9;
	[tilespmem:v2+s2+$0x0] =	vst.idx.add.f32.msk $0xffff, v1  }
0x17: {  	v2 =	vld [tilespmem:s10+$0x2710];
	_ =	sdelay $0x5  }
0x18: {  	s8 =	sadd.s32 $0x1, s8  }
0x19: {  	p0 =	sne.s32 s8, s5  }
.Ltmp2:
0x1a: {  	[tilespmem:v2+s2+$0x0] =	vst.idx.add.f32.msk $0xffff, v1;
	(pc) =	sbr.rel @p0 .LBB2_1-.Ltmp2, $4  }
0x1b: {  	[hbm4b:s4+s2] =	stream.linear.scatter [tilespmem:s2], [sflag:$0x1], $0x2710, $0x38;
	[tilespmem:$0x4E20] =	vst v63  }
0x1c: {  	_ =	swait.ge [sflag:s7], $0x2710  }
0x1d: {  	[sflag:s7] =	ssyncset.done $0x0  }
0x1e: {  	[sflag:s7] =	ssyncadd.s32 $0xFFFFD8F0  }
0x1f: {  	_ =	sfence.sel $0x180000  }
0x20: {  	[bflag:$0x0] =	sbarrier.arrive $0xFFFF  }
0x21: {  	p0 =	sne.s32 s0, $0x0;
	_ =	strace $0x90000047  }
0x22: {  	s0 =	sadd.s32 @!p0 $0x100000, s1;
	[bflag:$0x2] =	sbarrier.arrive $0xFFFF  }
0x23: {  	[sflag:s0] =	ssyncadd.tile.s32 @!p0 $0x1;
	_ =	shalt  }
.Lfunc_end2:
_tile_overlayer_lowered:
.L_overlay_start_2:
0x24: {  	(tag) =	ssettag $0x2  }
0x25: {  	s0 =	rddreg [dreg:$0x0];
	s2 =	stileid.u32  }
0x26: {  	s1 =	rddreg [dreg:$0x1];
	p0 =	sne.s32 s2, $0x0  }
0x27: {  	s3 =	rddreg [dreg:$0x2];
	[bflag:$0x3] =	sbarrier.arrive $0xFFFF;
	s2 =	simm.s32 @!p0 $0x1C01  }
0x28: {  	[timem:s3], [sflag:s2] =	dma.local @!p0 [hbm:s0], s1  }
0x29: {  	s0 =	simm.s32 @!p0 $0x1  }
0x2a: {  	_ =	swait.ge @!p0 [sflag:s0], s1  }
0x2b: {  	s1 =	ssub.s32 @!p0 $0x0, s1;
	[sflag:s0] =	ssyncset.done @!p0 $0x0  }
0x2c: {  	[sflag:s0] =	ssyncadd.s32 @!p0 s1  }
0x2d: {  	[bflag:$0x3] =	sbarrier.arrive $0xFFFF  }
0x2e: {  	_ =	shalt  }

// kernel: kernel.9.cloned.1.call-start
scs
__scs_entry_jumppad:
0x0: {  	(pc) =	sbr.rel $0x88, $3  }
0x1: {  	(tag) =	ssettag $0x0;
	lr =	simm.s32 $0x1  }
0x2: {  	[smem:$0x3F98] =	sst lr;
	_ =	strace $0xD0000000  }
0x3: {  	_ = 	snop  }
0x4: {  	_ = 	snop  }
0x5: {  	_ = 	snop  }
0x6: {  	_ = 	snop  }
0x7: {  	_ = 	snop  }
__scs_overlays_trampoline_lowered:
0x8: {  	[smem:$0x3FA7] =	sst s0  }
0x9: {  	[smem:$0x3FA8] =	sst s1  }
0xa: {  	[smem:$0x3FA9] =	sst s2  }
0xb: {  	[smem:$0x3FAA] =	sst s3  }
0xc: {  	[smem:$0x3FAB] =	sst s4  }
0xd: {  	[smem:$0x3FAC] =	sst s5  }
0xe: {  	[smem:$0x3FAD] =	sst s6  }
0xf: {  	[smem:$0x3FAE] =	sst s7  }
0x10: {  	[smem:$0x3FAF] =	sst s8  }
0x11: {  	[smem:$0x3FB0] =	sst s9;
	s0 =	simm.s32 @!p0 $0x0  }
0x12: {  	s1 =	sld [smem:$0x3F96];
	s0 =	simm.s32 @p0 $0x1  }
0x13: {  	[smem:$0x3FB1] =	sst s0;
	s0 =	simm.s32 @!p1 $0x0  }
0x14: {  	s2 =	sld [smem:$0x3F95];
	s0 =	simm.s32 @p1 $0x1  }
0x15: {  	[smem:$0x3FB2] =	sst s0;
	s0 =	simm.s32 @!p2 $0x0  }
0x16: {  	s3 =	sld [smem:$0x3FDB];
	s0 =	simm.s32 @p2 $0x1  }
0x17: {  	s4 =	simm.s32 $0x1BF5;
	[smem:$0x3FB4] =	sst s0  }
0x18: {  	s0 =	sld [smem:$0x3F97];
	_ =	swait.ge [sflag:s4], $0x0  }
0x19: {  	s7 =	sld [smem:$0x3F98]  }
0x1a: {  	s8 =	sadd.s32 $0xFFFFE003, lr  }
0x1b: {  	s9 =	sadd.s32 $0xFFFFFEF7, lr;
	s5 =	simm.s32 $0xFFFFFFFF;
	p2 =	slt.u32 s8, $0xFFFFF086  }
0x1c: {  	p1 =	slt.u32 s9, $0xF7A;
	s5 =	simm.s32 @!p2 $0x0  }
0x1d: {  	s5 =	simm.s32 @p1 $0x1;
	p0 =	seq.s32 s7, s2  }
0x1e: {  	s7 =	smul.u32 @!p0 $0xF7A, s2;
	p2 =	seq.s32 @!p0 s5, $0x0  }
0x1f: {  	s9 =	smul.u32 $0xF7A, s1;
	s8 =	simm.s32 @!p0 $0x1BF5;
	p2 =	por !p2, p0  }
0x20: {  	[sflag:s8] =	ssyncset.s32 @!p0 $0xFFFFF086;
	s6 =	sadd.s32 @!p0 s3, s7;
	s7 =	simm.s32 @!p0 $0x108  }
0x21: {  	s3 =	sadd.s32 s3, s9;
	s6 =	sadd.s32 @!p0 $0x88, s6;
	s7 =	simm.s32 @p2 $0x1082  }
0x22: {  	[simem:s7], [sflag:s8] =	dma.local @!p0 [hbm:s6], $0xF7A  }
0x23: {  	s9 =	sor.u32 $0xD0000000, s2;
	s6 =	simm.s32 $0x108;
	_ =	swait.ge @!p0 [sflag:s8], $0x0  }
0x24: {  	s3 =	sadd.s32 $0x88, s3;
	s6 =	simm.s32 @!p1 $0x1082;
	[sflag:s4] =	ssyncset.s32 $0xFFFFF086  }
0x25: {  	[simem:s6], [sflag:s4] =	dma.local [hbm:s3], $0xF7A  }
0x26: {  	[smem:$0x3F98] =	sst s1;
	(tag) =	ssettag s2;
	_ =	strace s9  }
0x27: {  	s1 =	sld [smem:$0x3FA8]  }
0x28: {  	s2 =	sld [smem:$0x3FA9]  }
0x29: {  	s4 =	sld [smem:$0x3FAB]  }
0x2a: {  	p0 =	seq.s32 s5, $0x0;
	s5 =	sld [smem:$0x3FAC]  }
0x2b: {  	s6 =	sld [smem:$0x3FAD]  }
0x2c: {  	s7 =	sld [smem:$0x3FAE]  }
0x2d: {  	s3 =	simm.s32 $0x108;
	s8 =	sld [smem:$0x3FAF]  }
0x2e: {  	s3 =	simm.s32 @!p0 $0x1082;
	s9 =	sld [smem:$0x3FB0]  }
0x2f: {  	lr =	sadd.s32 s0, s3;
	s0 =	sld [smem:$0x3FA7]  }
0x30: {  	s3 =	sld [smem:$0x3FAA]  }
0x31: {  	[smem:$0x3FB3] =	sst s10  }
0x32: {  	s10 =	sld [smem:$0x3FB1];
	_ =	sdelay $0x3  }
0x33: {  	p0 =	seq.s32 s10, $0x1;
	s10 =	sld [smem:$0x3FB3];
	_ =	sdelay $0x3  }
0x34: {  	[smem:$0x3FB3] =	sst s10  }
0x35: {  	s10 =	sld [smem:$0x3FB2];
	_ =	sdelay $0x3  }
0x36: {  	p1 =	seq.s32 s10, $0x1;
	s10 =	sld [smem:$0x3FB3];
	_ =	sdelay $0x3  }
0x37: {  	[smem:$0x3FB3] =	sst s10  }
0x38: {  	s10 =	sld [smem:$0x3FB4]  }
0x39: {  	_ = 	snop;
	(pc) =	sbr.ind lr, $3  }
0x3a: {  	_ = 	snop  }
0x3b: {  	_ = 	snop  }
0x3c: {  	p2 =	seq.s32 s10, $0x1;
	s10 =	sld [smem:$0x3FB3]  }
0x3d: {  	_ =	shalt  }
0x3e: {  	_ =	shalt  }
0x3f: {  	_ =	shalt  }
0x40: {  	_ =	shalt  }
0x41: {  	_ =	shalt  }
0x42: {  	_ =	shalt  }
0x43: {  	_ =	shalt  }
0x44: {  	_ =	shalt  }
0x45: {  	_ =	shalt  }
0x46: {  	_ =	shalt  }
0x47: {  	_ =	shalt  }
0x48: {  	_ =	shalt  }
0x49: {  	_ =	shalt  }
0x4a: {  	_ =	shalt  }
0x4b: {  	_ =	shalt  }
0x4c: {  	_ =	shalt  }
0x4d: {  	_ =	shalt  }
0x4e: {  	_ =	shalt  }
0x4f: {  	_ =	shalt  }
0x50: {  	_ =	shalt  }
0x51: {  	_ =	shalt  }
0x52: {  	_ =	shalt  }
0x53: {  	_ =	shalt  }
0x54: {  	_ =	shalt  }
0x55: {  	_ =	shalt  }
0x56: {  	_ =	shalt  }
0x57: {  	_ =	shalt  }
0x58: {  	_ =	shalt  }
0x59: {  	_ =	shalt  }
0x5a: {  	_ =	shalt  }
0x5b: {  	_ =	shalt  }
0x5c: {  	_ =	shalt  }
0x5d: {  	_ =	shalt  }
0x5e: {  	_ =	shalt  }
0x5f: {  	_ =	shalt  }
0x60: {  	_ =	shalt  }
0x61: {  	_ =	shalt  }
0x62: {  	_ =	shalt  }
0x63: {  	_ =	shalt  }
0x64: {  	_ =	shalt  }
0x65: {  	_ =	shalt  }
0x66: {  	_ =	shalt  }
0x67: {  	_ =	shalt  }
0x68: {  	_ =	shalt  }
0x69: {  	_ =	shalt  }
0x6a: {  	_ =	shalt  }
0x6b: {  	_ =	shalt  }
0x6c: {  	_ =	shalt  }
0x6d: {  	_ =	shalt  }
0x6e: {  	_ =	shalt  }
0x6f: {  	_ =	shalt  }
0x70: {  	_ =	shalt  }
0x71: {  	_ =	shalt  }
0x72: {  	_ =	shalt  }
0x73: {  	_ =	shalt  }
0x74: {  	_ =	shalt  }
0x75: {  	_ =	shalt  }
0x76: {  	_ =	shalt  }
0x77: {  	_ =	shalt  }
0x78: {  	_ =	shalt  }
0x79: {  	_ =	shalt  }
0x7a: {  	_ =	shalt  }
0x7b: {  	_ =	shalt  }
0x7c: {  	_ =	shalt  }
0x7d: {  	_ =	shalt  }
0x7e: {  	_ =	shalt  }
0x7f: {  	_ =	shalt  }
0x80: {  	_ =	shalt  }
0x81: {  	_ =	shalt  }
0x82: {  	_ =	shalt  }
0x83: {  	_ =	shalt  }
0x84: {  	_ =	shalt  }
0x85: {  	_ =	shalt  }
0x86: {  	_ =	shalt  }
0x87: {  	_ =	shalt  }
.Lfunc_end0:
.L_simem_size_0:
called_computation.1_lowered:
.L_overlay_start_0:
0x88: {  	s2 =	sld [smem:$0x3FD9]  }
0x89: {  	s3 =	sld [smem:$0x3FFE];
	_ =	sdelay $0x1  }
0x8a: {  	s1 =	srdreg.scid  }
0x8b: {  	s0 =	sand.u32 $0x1, s1  }
0x8c: {  	s17 =	sshll.u32 s0, $0xA;
	s2 =	sadd.s32 s3, s2  }
0x8d: {  	s2 =	sadd.s32 s2, s17  }
0x8e: {  	[smem:$0x3FBF] =	sst s2  }
0x8f: {  	_ = 	snop  }
0x90: {  	s2 =	sld [smem:$0x3FD0];
	(tm) =	ssettm $0x1  }
0x91: {  	s18 =	sld [smem:$0x3FFB];
	_ =	sdelay $0x3  }
0x92: {  	_ =	strace s18  }
0x93: {  	s3 =	sld [smem:$0x3FFC];
	_ =	sdelay $0x3  }
0x94: {  	_ =	strace s3  }
0x95: {  	s3 =	sld [smem:$0x3FFD];
	_ =	sdelay $0x3  }
0x96: {  	_ =	strace s3  }
0x97: {  	_ =	strace $0x8FFFFFFF  }
0x98: {  	s19 =	sld [smem:$0x3FDB];
	_ =	sdelay $0x1  }
0x99: {  	s4 =	simm.s32 $_scs_section_size  }
0x9a: {  	s5 =	simm.s32 $_size__tile_overlayer_lowered;
	s6 =	simm.s32 $_tile_overlayer_lowered  }
0x9b: {  	s22 =	simm.s32 $0x1BFF;
	s21 =	sshll.u32 s6, $0x1;
	s3 =	sadd.s32 s4, s19  }
0x9c: {  	s7 =	simm.s32 $0x0;
	s20 =	sshll.u32 s5, $0x1;
	s5 =	sadd.s32 s21, s3  }
0x9d: {  	[timem:s7], [sflag:s22] =	dma.local [hbm:s5], s20  }
0x9e: {  	_ =	swait.ge [sflag:s22], s20  }
0x9f: {  	s4 =	ssub.s32 $0x0, s20;
	[sflag:s22] =	ssyncset.done $0x0  }
0xa0: {  	[sflag:s22] =	ssyncadd.s32 s4;
	_ =	sdelay $0x1  }
0xa1: {  	s23 =	simm.s32 $0x1B8B  }
0xa2: {  	_ =	swait.ge [sflag:s23], $0x1  }
0xa3: {  	[sflag:s23] =	ssyncset.done $0x0  }
0xa4: {  	s25 =	simm.s32 $0x1B8E;
	s24 =	sld [smem:$0x3FFE];
	[sflag:s23] =	ssyncadd.s32 $0xFFFFFFFF  }
0xa5: {  	s26 =	simm.s32 $execute0_lowered;
	[smem:$0x3FD2] =	sst s25  }
0xa6: {  	s5 =	sshll.u32 s26, $0x1;
	_ =	strace $0x80000049;
	[dreg:$0x1] =	wrdreg $0xFFFFFFFF  }
0xa7: {  	s28 =	simm.s32 $_size_execute0_lowered;
	s3 =	sadd.s32 s3, s5;
	[dreg:$0x0] =	wrdreg $0x0  }
0xa8: {  	s5 =	sshll.u32 s28, $0x1;
	[dreg:$0x2] =	wrdreg s3  }
0xa9: {  	[dreg:$0x3] =	wrdreg s5  }
0xaa: {  	[dreg:$0x4] =	wrdreg $0xC0  }
0xab: {  	_ =	task [dreg:s7], $0x5FFFF  }
0xac: {  	[dreg:$0x1] =	wrdreg $0xFFFFFFFF  }
0xad: {  	[dreg:$0x0] =	wrdreg $0x60  }
0xae: {  	[dreg:$0x2] =	wrdreg s2  }
0xaf: {  	[dreg:$0x3] =	wrdreg s24  }
0xb0: {  	[dreg:$0x4] =	wrdreg $0xAAA00  }
0xb1: {  	[dreg:$0x5] =	wrdreg $0x9  }
0xb2: {  	_ =	task.clear_ibuf [dreg:s7], $0x6FFFF;
	_ =	strace $0x90000049  }
0xb3: {  	s29 =	simm.s32 $0x9;
	_ =	strace $0x8000004B  }
0xb4: {  	_ =	swait.ge [sflag:s29], $0x1  }
0xb5: {  	[sflag:s29] =	ssyncadd.s32 $0xFFFFFFFF  }
0xb6: {  	_ =	strace $0x9000004B  }
0xb7: {  	_ =	sfence  }
0xb8: {  	s30 =	sld [smem:$0x0];
	_ =	sdelay $0x2  }
0xb9: {  	s31 =	sshll.u32 s1, $0xD;
	s1 =	sshrl.u32 s1, $0x2  }
0xba: {  	s3 =	sand.u32 $0x4000, s31;
	s1 =	sadd.s32 s1, s30  }
0xbb: {  	s0 =	sor.u32 s3, s0;
	s1 =	sshll.u32 s1, $0x11  }
0xbc: {  	s0 =	sor.u32 s1, s0  }
0xbd: {  	s0 =	sadd.s32 $0x8F2B, s0  }
0xbe: {  	[sflag:s0] =	ssyncadd.remote.s32 $0x1  }
0xbf: {  	_ =	sfence.sel $0xFFFF  }
0xc0: {  	[dreg:$0x0] =	wrdreg $0xFFFFFFFF;
	(pc) =	sbr.abs _section_cstart, $3  }
0xc1: {  	[dreg:$0x1] =	wrdreg $0xFFFFFFFF  }
0xc2: {  	_ =	task.clear_ibuf [dreg:s7], $0x2FFFF;
	_ =	strace $0x9FFFFFFF  }
0xc3: {  	(tm) =	ssettm $0x7FFFFFFF  }
tec
execute0_lowered:
.L_overlay_start_1:
0x0: {  	(tag) =	ssettag $0x1  }
0x1: {  	s2 =	rddreg [dreg:$0x0]  }
0x2: {  	s1 =	srdreg.scid;
	s7 =	stileid.u32  }
0x3: {  	s1 =	sand.u32 $0x1, s1;
	s4 =	smul.u32 $0x13880, s7;
	s5 =	sshll.u32 s7, $0x1  }
0x4: {  	s0 =	rddreg [dreg:$0x1];
	s6 =	smul.u32 $0x138800, s1;
	s5 =	sor.u32 s1, s5  }
0x5: {  	s3 =	rddreg [dreg:$0x2];
	s8 =	simm.s32 $0x0;
	s5 =	smul.u32 $0x4E2, s5  }
0x6: {  	[smem:$0x7FF] =	sst s8;
	s7 =	smul.u32 $0x4E200, s7;
	s6 =	sadd.s32 s4, s6  }
0x7: {  	_ =	strace $0x8000004A;
	s6 =	sshrl.u32 s6, $0x3;
	s5 =	sadd.s32 s5, s0  }
0x8: {  	s26 =	sshrl.u32 s7, $0x2;
	s6 =	sadd.s32 s6, s0;
	s25 =	sadd.s32 $0xBA00, s5  }
0x9: {  	s9 =	sadd.s32 $0x1C00, s5;
	s0 =	sadd.s32 s26, s3;
	[dreg:$0x4] =	wrdreg s25  }
0xa: {  	[dreg:$0x5] =	wrdreg s9;
	s10 =	sadd.s32 $0xC80, s0  }
0xb: {  	s11 =	sadd.s32 $0x1900, s0;
	[dreg:$0x6] =	wrdreg s10  }
0xc: {  	s12 =	sadd.s32 $0x2580, s0;
	[dreg:$0x7] =	wrdreg s11  }
0xd: {  	s13 =	sadd.s32 $0x3200, s0;
	[dreg:$0x8] =	wrdreg s12  }
0xe: {  	s1 =	ssub.s32 $0x2, s1;
	s14 =	sadd.s32 $0x3E80, s0;
	[dreg:$0x9] =	wrdreg s13  }
0xf: {  	s24 =	sshrl.u32 s1, $0x1;
	s15 =	sadd.s32 $0x4B00, s0;
	[dreg:$0xa] =	wrdreg s14  }
0x10: {  	s7 =	sadd.s32 s4, s3;
	s16 =	sadd.s32 $0x5780, s0;
	[dreg:$0xb] =	wrdreg s15  }
0x11: {  	s8 =	ssub.s32 s1, s24;
	s17 =	sadd.s32 $0x6400, s0;
	[dreg:$0xc] =	wrdreg s16  }
0x12: {  	s4 =	smax.u32 s8, $0x1;
	s18 =	sadd.s32 $0x7080, s0;
	[dreg:$0xd] =	wrdreg s17  }
0x13: {  	s8 =	simm.s32 $0x5;
	s19 =	sadd.s32 $0x7D00, s0;
	[dreg:$0xe] =	wrdreg s18  }
0x14: {  	s5 =	simm.s32 $0x9E20;
	s20 =	sadd.s32 $0x8980, s0;
	[dreg:$0xf] =	wrdreg s19  }
0x15: {  	s21 =	sadd.s32 $0x9600, s0;
	s22 =	sadd.s32 $0xA280, s0;
	[dreg:$0x10] =	wrdreg s20  }
0x16: {  	s23 =	sadd.s32 $0xAF00, s0;
	s24 =	sadd.s32 $0xBB80, s0;
	[dreg:$0x11] =	wrdreg s21  }
0x17: {  	s25 =	sadd.s32 $0xC800, s0;
	s26 =	sadd.s32 $0xD480, s0;
	[dreg:$0x12] =	wrdreg s22  }
0x18: {  	s28 =	sadd.s32 $0xFA00, s0;
	s29 =	sadd.s32 $0x10680, s0;
	[dreg:$0x13] =	wrdreg s23  }
0x19: {  	s30 =	sadd.s32 $0x11300, s0;
	s31 =	sadd.s32 $0x11F80, s0;
	[dreg:$0x14] =	wrdreg s24  }
0x1a: {  	s1 =	sadd.s32 $0x15800, s6;
	s6 =	simm.s32 $0x6;
	[dreg:$0x15] =	wrdreg s25  }
0x1b: {  	s9 =	simm.s32 $0x28;
	[dreg:$0x16] =	wrdreg s26;
	s25 =	sadd.s32 $0xE100, s0  }
0x1c: {  	s26 =	sadd.s32 $0xED80, s0;
	s0 =	sadd.s32 $0x12C00, s0;
	s10 =	simm.s32 $0x4E20  }
0x1d: {  	s11 =	simm.s32 $0x6220;
	s12 =	simm.s32 $0x7620;
	s13 =	simm.s32 $0x8A20  }
0x1e: {  	s14 =	simm.s32 $0x1;
	s15 =	simm.s32 $0x2;
	s16 =	simm.s32 $0x50  }
0x1f: {  	v0 =	vimm.f32 $0.0e+00;
	s17 =	simm.s32 $0x3;
	s18 =	simm.s32 $0x4;
	s19 =	simm.s32 $0x0  }
.LBB2_1:
0x20: {  	s20 =	simm.s32 $0x0;
	s21 =	rddreg [dreg:$0x4]  }
0x21: {  	[tilespmem:s20], [sflag:$0x5] =	stream.linear.gather [hbm4b:s21+s20], $0x2710, $0x38;
	[tilespmem:$0x1E320] =	vst v63  }
0x22: {  	s24 =	rddreg [dreg:$0x5];
	s22 =	simm.s32 $0x2710  }
0x23: {  	[tilespmem:s22], [sflag:$0x5] =	stream.linear.gather [hbm4b:s24+s20], $0x2710, $0x38;
	[tilespmem:$0x1E320] =	vst v63  }
0x24: {  	s21 =	simm.s32 $0x3C0;
	s20 =	simm.s32 $0x70  }
.LBB2_2:
0x25: {  	p0 =	sne.s32 s21, $0x31C0;
	[tilespmem:s20+$0x9E20] =	vst v0  }
0x26: {  	[tilespmem:s20+$0x9DB0] =	vst v0  }
0x27: {  	[tilespmem:s20+$0x9DC0] =	vst v0  }
.Ltmp0:
0x28: {  	[tilespmem:s20+$0x9DD0] =	vst v0;
	(pc) =	sbr.rel @p0 .LBB2_2-.Ltmp0, $4  }
0x29: {  	[tilespmem:s20+$0x9DE0] =	vst v0  }
0x2a: {  	[tilespmem:s20+$0x9DF0] =	vst v0  }
0x2b: {  	[tilespmem:s20+$0x9E00] =	vst v0  }
0x2c: {  	[tilespmem:s20+$0x9E10] =	vst v0;
	s20 =	sshra.s32 s21, $0x2;
	s21 =	sadd.s32 $0x200, s21  }
0x2d: {  	[tilespmem:s20+$0x9E20] =	vst v0  }
0x2e: {  	[tilespmem:s20+$0x9DB0] =	vst v0  }
0x2f: {  	[tilespmem:s20+$0x9DC0] =	vst v0  }
0x30: {  	[tilespmem:s20+$0x9DD0] =	vst v0  }
0x31: {  	[tilespmem:s20+$0x9DE0] =	vst v0  }
0x32: {  	[tilespmem:s20+$0x9DF0] =	vst v0  }
0x33: {  	[tilespmem:s20+$0x9E00] =	vst v0  }
0x34: {  	[tilespmem:s20+$0x9E10] =	vst v0  }
0x35: {  	[spmem:s7] =	stream.linear.scatter [tilespmem:s5], [sflag:$0x6], $0xC80, $0x38;
	[tilespmem:$0x1E320] =	vst v63  }
0x36: {  	_ =	swait.ge [sflag:s6], $0xC80  }
0x37: {  	[sflag:s6] =	ssyncset.done $0x0  }
0x38: {  	s21 =	rddreg [dreg:$0x6];
	[sflag:s6] =	ssyncadd.s32 $0xFFFFF380  }
0x39: {  	[spmem:s21] =	stream.linear.scatter [tilespmem:s5], [sflag:$0x6], $0xC80, $0x38;
	[tilespmem:$0x1E320] =	vst v63  }
0x3a: {  	_ =	swait.ge [sflag:s6], $0xC80  }
0x3b: {  	[sflag:s6] =	ssyncset.done $0x0  }
0x3c: {  	s22 =	rddreg [dreg:$0x7];
	[sflag:s6] =	ssyncadd.s32 $0xFFFFF380  }
0x3d: {  	[spmem:s22] =	stream.linear.scatter [tilespmem:s5], [sflag:$0x6], $0xC80, $0x38;
	[tilespmem:$0x1E320] =	vst v63  }
0x3e: {  	_ =	swait.ge [sflag:s6], $0xC80  }
0x3f: {  	[sflag:s6] =	ssyncset.done $0x0  }
0x40: {  	s23 =	rddreg [dreg:$0x8];
	[sflag:s6] =	ssyncadd.s32 $0xFFFFF380  }
0x41: {  	[spmem:s23] =	stream.linear.scatter [tilespmem:s5], [sflag:$0x6], $0xC80, $0x38;
	[tilespmem:$0x1E320] =	vst v63  }
0x42: {  	_ =	swait.ge [sflag:s6], $0xC80  }
0x43: {  	[sflag:s6] =	ssyncset.done $0x0  }
0x44: {  	s24 =	rddreg [dreg:$0x9];
	[sflag:s6] =	ssyncadd.s32 $0xFFFFF380  }
0x45: {  	[spmem:s24] =	stream.linear.scatter [tilespmem:s5], [sflag:$0x6], $0xC80, $0x38;
	[tilespmem:$0x1E320] =	vst v63  }
0x46: {  	_ =	swait.ge [sflag:s6], $0xC80  }
0x47: {  	[sflag:s6] =	ssyncset.done $0x0  }
0x48: {  	s21 =	rddreg [dreg:$0xa];
	[sflag:s6] =	ssyncadd.s32 $0xFFFFF380  }
0x49: {  	[spmem:s21] =	stream.linear.scatter [tilespmem:s5], [sflag:$0x6], $0xC80, $0x38;
	[tilespmem:$0x1E320] =	vst v63  }
0x4a: {  	_ =	swait.ge [sflag:s6], $0xC80  }
0x4b: {  	[sflag:s6] =	ssyncset.done $0x0  }
0x4c: {  	s22 =	rddreg [dreg:$0xb];
	[sflag:s6] =	ssyncadd.s32 $0xFFFFF380  }
0x4d: {  	[spmem:s22] =	stream.linear.scatter [tilespmem:s5], [sflag:$0x6], $0xC80, $0x38;
	[tilespmem:$0x1E320] =	vst v63  }
0x4e: {  	_ =	swait.ge [sflag:s6], $0xC80  }
0x4f: {  	[sflag:s6] =	ssyncset.done $0x0  }
0x50: {  	s23 =	rddreg [dreg:$0xc];
	[sflag:s6] =	ssyncadd.s32 $0xFFFFF380  }
0x51: {  	[spmem:s23] =	stream.linear.scatter [tilespmem:s5], [sflag:$0x6], $0xC80, $0x38;
	[tilespmem:$0x1E320] =	vst v63  }
0x52: {  	_ =	swait.ge [sflag:s6], $0xC80  }
0x53: {  	[sflag:s6] =	ssyncset.done $0x0  }
0x54: {  	s24 =	rddreg [dreg:$0xd];
	[sflag:s6] =	ssyncadd.s32 $0xFFFFF380  }
0x55: {  	[spmem:s24] =	stream.linear.scatter [tilespmem:s5], [sflag:$0x6], $0xC80, $0x38;
	[tilespmem:$0x1E320] =	vst v63  }
0x56: {  	_ =	swait.ge [sflag:s6], $0xC80  }
0x57: {  	[sflag:s6] =	ssyncset.done $0x0  }
0x58: {  	s21 =	rddreg [dreg:$0xe];
	[sflag:s6] =	ssyncadd.s32 $0xFFFFF380  }
0x59: {  	[spmem:s21] =	stream.linear.scatter [tilespmem:s5], [sflag:$0x6], $0xC80, $0x38;
	[tilespmem:$0x1E320] =	vst v63  }
0x5a: {  	_ =	swait.ge [sflag:s6], $0xC80  }
0x5b: {  	[sflag:s6] =	ssyncset.done $0x0  }
0x5c: {  	s22 =	rddreg [dreg:$0xf];
	[sflag:s6] =	ssyncadd.s32 $0xFFFFF380  }
0x5d: {  	[spmem:s22] =	stream.linear.scatter [tilespmem:s5], [sflag:$0x6], $0xC80, $0x38;
	[tilespmem:$0x1E320] =	vst v63  }
0x5e: {  	_ =	swait.ge [sflag:s6], $0xC80  }
0x5f: {  	[sflag:s6] =	ssyncset.done $0x0  }
0x60: {  	s23 =	rddreg [dreg:$0x10];
	[sflag:s6] =	ssyncadd.s32 $0xFFFFF380  }
0x61: {  	[spmem:s23] =	stream.linear.scatter [tilespmem:s5], [sflag:$0x6], $0xC80, $0x38;
	[tilespmem:$0x1E320] =	vst v63  }
0x62: {  	_ =	swait.ge [sflag:s6], $0xC80  }
0x63: {  	[sflag:s6] =	ssyncset.done $0x0  }
0x64: {  	s24 =	rddreg [dreg:$0x11];
	[sflag:s6] =	ssyncadd.s32 $0xFFFFF380  }
0x65: {  	[spmem:s24] =	stream.linear.scatter [tilespmem:s5], [sflag:$0x6], $0xC80, $0x38;
	[tilespmem:$0x1E320] =	vst v63  }
0x66: {  	_ =	swait.ge [sflag:s6], $0xC80  }
0x67: {  	[sflag:s6] =	ssyncset.done $0x0  }
0x68: {  	s21 =	rddreg [dreg:$0x12];
	[sflag:s6] =	ssyncadd.s32 $0xFFFFF380  }
0x69: {  	[spmem:s21] =	stream.linear.scatter [tilespmem:s5], [sflag:$0x6], $0xC80, $0x38;
	[tilespmem:$0x1E320] =	vst v63  }
0x6a: {  	_ =	swait.ge [sflag:s6], $0xC80  }
0x6b: {  	[sflag:s6] =	ssyncset.done $0x0  }
0x6c: {  	s22 =	rddreg [dreg:$0x13];
	[sflag:s6] =	ssyncadd.s32 $0xFFFFF380  }
0x6d: {  	[spmem:s22] =	stream.linear.scatter [tilespmem:s5], [sflag:$0x6], $0xC80, $0x38;
	[tilespmem:$0x1E320] =	vst v63  }
0x6e: {  	_ =	swait.ge [sflag:s6], $0xC80  }
0x6f: {  	[sflag:s6] =	ssyncset.done $0x0  }
0x70: {  	s23 =	rddreg [dreg:$0x14];
	[sflag:s6] =	ssyncadd.s32 $0xFFFFF380  }
0x71: {  	[spmem:s23] =	stream.linear.scatter [tilespmem:s5], [sflag:$0x6], $0xC80, $0x38;
	[tilespmem:$0x1E320] =	vst v63  }
0x72: {  	_ =	swait.ge [sflag:s6], $0xC80  }
0x73: {  	[sflag:s6] =	ssyncset.done $0x0  }
0x74: {  	s24 =	rddreg [dreg:$0x15];
	[sflag:s6] =	ssyncadd.s32 $0xFFFFF380  }
0x75: {  	[spmem:s24] =	stream.linear.scatter [tilespmem:s5], [sflag:$0x6], $0xC80, $0x38;
	[tilespmem:$0x1E320] =	vst v63  }
0x76: {  	_ =	swait.ge [sflag:s6], $0xC80  }
0x77: {  	[sflag:s6] =	ssyncset.done $0x0  }
0x78: {  	s21 =	rddreg [dreg:$0x16];
	[sflag:s6] =	ssyncadd.s32 $0xFFFFF380  }
0x79: {  	[spmem:s21] =	stream.linear.scatter [tilespmem:s5], [sflag:$0x6], $0xC80, $0x38;
	[tilespmem:$0x1E320] =	vst v63  }
0x7a: {  	_ =	swait.ge [sflag:s6], $0xC80  }
0x7b: {  	[sflag:s6] =	ssyncset.done $0x0  }
0x7c: {  	[sflag:s6] =	ssyncadd.s32 $0xFFFFF380  }
0x7d: {  	[spmem:s25] =	stream.linear.scatter [tilespmem:s5], [sflag:$0x6], $0xC80, $0x38;
	[tilespmem:$0x1E320] =	vst v63  }
0x7e: {  	_ =	swait.ge [sflag:s6], $0xC80  }
0x7f: {  	[sflag:s6] =	ssyncset.done $0x0  }
0x80: {  	[sflag:s6] =	ssyncadd.s32 $0xFFFFF380  }
0x81: {  	[spmem:s26] =	stream.linear.scatter [tilespmem:s5], [sflag:$0x6], $0xC80, $0x38;
	[tilespmem:$0x1E320] =	vst v63  }
0x82: {  	_ =	swait.ge [sflag:s6], $0xC80  }
0x83: {  	[sflag:s6] =	ssyncset.done $0x0  }
0x84: {  	[sflag:s6] =	ssyncadd.s32 $0xFFFFF380  }
0x85: {  	[spmem:s28] =	stream.linear.scatter [tilespmem:s5], [sflag:$0x6], $0xC80, $0x38;
	[tilespmem:$0x1E320] =	vst v63  }
0x86: {  	_ =	swait.ge [sflag:s6], $0xC80  }
0x87: {  	[sflag:s6] =	ssyncset.done $0x0  }
0x88: {  	[sflag:s6] =	ssyncadd.s32 $0xFFFFF380  }
0x89: {  	[spmem:s29] =	stream.linear.scatter [tilespmem:s5], [sflag:$0x6], $0xC80, $0x38;
	[tilespmem:$0x1E320] =	vst v63  }
0x8a: {  	_ =	swait.ge [sflag:s6], $0xC80  }
0x8b: {  	[sflag:s6] =	ssyncset.done $0x0  }
0x8c: {  	[sflag:s6] =	ssyncadd.s32 $0xFFFFF380  }
0x8d: {  	[spmem:s30] =	stream.linear.scatter [tilespmem:s5], [sflag:$0x6], $0xC80, $0x38;
	[tilespmem:$0x1E320] =	vst v63  }
0x8e: {  	_ =	swait.ge [sflag:s6], $0xC80  }
0x8f: {  	[sflag:s6] =	ssyncset.done $0x0  }
0x90: {  	[sflag:s6] =	ssyncadd.s32 $0xFFFFF380  }
0x91: {  	[spmem:s31] =	stream.linear.scatter [tilespmem:s5], [sflag:$0x6], $0xC80, $0x38;
	[tilespmem:$0x1E320] =	vst v63  }
0x92: {  	_ =	swait.ge [sflag:s6], $0xC80  }
0x93: {  	[sflag:s6] =	ssyncset.done $0x0  }
0x94: {  	[sflag:s6] =	ssyncadd.s32 $0xFFFFF380  }
0x95: {  	[spmem:s0] =	stream.linear.scatter [tilespmem:s5], [sflag:$0x6], $0xC80, $0x38;
	[tilespmem:$0x1E320] =	vst v63  }
0x96: {  	_ =	swait.ge [sflag:s6], $0xC80  }
0x97: {  	[sflag:s6] =	ssyncset.done $0x0  }
0x98: {  	[sflag:s6] =	ssyncadd.s32 $0xFFFFF380  }
0x99: {  	_ =	swait.ge [sflag:s8], $0x2710  }
0x9a: {  	[sflag:s8] =	ssyncset.done $0x0  }
0x9b: {  	[sflag:s8] =	ssyncadd.s32 $0xFFFFD8F0  }
0x9c: {  	_ =	swait.ge [sflag:s8], $0x2710  }
0x9d: {  	[sflag:s8] =	ssyncset.done $0x0  }
0x9e: {  	[sflag:s8] =	ssyncadd.s32 $0xFFFFD8F0  }
0x9f: {  	s22 =	simm.s32 $0x0;
	[bflag:$0x0] =	sbarrier.arrive $0xFFFF  }
0xa0: {  	[tilespmem:s10], [sflag:$0x1] =	stream.indirect.gather [hbm4b:s2+s9], $0x80, s22, s9, $0xb8;
	[tilespmem:$0x1E320] =	vst v63  }
0xa1: {  	_ = 	snop  }
0xa2: {  	[tilespmem:s11], [sflag:$0x2] =	stream.indirect.gather [hbm4b:s2+s9], $0x80, s9, s9, $0xb8;
	[tilespmem:$0x1E320] =	vst v63  }
0xa3: {  	s23 =	simm.s32 $0x50  }
0xa4: {  	[tilespmem:s12], [sflag:$0x3] =	stream.indirect.gather [hbm4b:s2+s9], $0x80, s23, s9, $0xb8;
	[tilespmem:$0x1E320] =	vst v63  }
0xa5: {  	s24 =	simm.s32 $0x78  }
0xa6: {  	[tilespmem:s13], [sflag:$0x4] =	stream.indirect.gather [hbm4b:s2+s9], $0x80, s24, s9, $0xb8;
	[tilespmem:$0x1E320] =	vst v63  }
0xa7: {  	_ =	swait.ge [sflag:s14], $0x1400  }
0xa8: {  	[sflag:s14] =	ssyncset.done $0x0  }
0xa9: {  	[sflag:s14] =	ssyncadd.s32 $0xFFFFEC00  }
0xaa: {  	_ =	swait.ge [sflag:s15], $0x1400  }
0xab: {  	[sflag:s15] =	ssyncset.done $0x0  }
0xac: {  	s21 =	simm.s32 $0x2710;
	[sflag:s15] =	ssyncadd.s32 $0xFFFFEC00  }
0xad: {  	[spmem:s3] =	stream.indirect.scatter.add.f32 [tilespmem:s10], [sflag:$0x6], $0x80, s21, s16, $0xb8;
	[tilespmem:$0x1E320] =	vst v63  }
0xae: {  	_ =	swait.ge [sflag:s6], $0x2800  }
0xaf: {  	[sflag:s6] =	ssyncset.done $0x0  }
0xb0: {  	s22 =	simm.s32 $0xA0;
	[sflag:s6] =	ssyncadd.s32 $0xFFFFD800  }
0xb1: {  	[tilespmem:s10], [sflag:$0x1] =	stream.indirect.gather [hbm4b:s2+s9], $0x80, s22, s9, $0xb8;
	[tilespmem:$0x1E320] =	vst v63  }
0xb2: {  	s23 =	simm.s32 $0xC8  }
0xb3: {  	[tilespmem:s11], [sflag:$0x2] =	stream.indirect.gather [hbm4b:s2+s9], $0x80, s23, s9, $0xb8;
	[tilespmem:$0x1E320] =	vst v63  }
0xb4: {  	_ =	swait.ge [sflag:s17], $0x1400  }
0xb5: {  	[sflag:s17] =	ssyncset.done $0x0  }
0xb6: {  	[sflag:s17] =	ssyncadd.s32 $0xFFFFEC00  }
0xb7: {  	_ =	swait.ge [sflag:s18], $0x1400  }
0xb8: {  	[sflag:s18] =	ssyncset.done $0x0  }
0xb9: {  	s24 =	simm.s32 $0x2760;
	[sflag:s18] =	ssyncadd.s32 $0xFFFFEC00  }
0xba: {  	[spmem:s3] =	stream.indirect.scatter.add.f32 [tilespmem:s12], [sflag:$0x6], $0x80, s24, s16, $0xb8;
	[tilespmem:$0x1E320] =	vst v63  }
0xbb: {  	_ =	swait.ge [sflag:s6], $0x2800  }
0xbc: {  	s20 =	simm.s32 $0xA0;
	s21 =	simm.s32 $0x500;
	[sflag:s6] =	ssyncset.done $0x0  }
.LBB2_4:
0xbd: {  	s22 =	sadd.s32 $0x50, s20  }
0xbe: {  	[sflag:s6] =	ssyncadd.s32 $0xFFFFD800;
	s23 =	smov.u32 s21;
	s24 =	sadd.s32 $0x280, s21  }
0xbf: {  	[tilespmem:s12], [sflag:$0x3] =	stream.indirect.gather [hbm4b:s2+s9], $0x80, s22, s9, $0xb8;
	[tilespmem:$0x1E320] =	vst v63  }
0xc0: {  	p0 =	sne.s32 s21, $0x9880;
	s21 =	sadd.s32 $0x78, s20  }
0xc1: {  	[tilespmem:s13], [sflag:$0x4] =	stream.indirect.gather [hbm4b:s2+s9], $0x80, s21, s9, $0xb8;
	[tilespmem:$0x1E320] =	vst v63  }
0xc2: {  	_ =	swait.ge [sflag:s14], $0x1400  }
0xc3: {  	[sflag:s14] =	ssyncset.done $0x0  }
0xc4: {  	[sflag:s14] =	ssyncadd.s32 $0xFFFFEC00  }
0xc5: {  	_ =	swait.ge [sflag:s15], $0x1400  }
0xc6: {  	[sflag:s15] =	ssyncset.done $0x0  }
0xc7: {  	s21 =	sadd.s32 $0x2710, s20;
	[sflag:s15] =	ssyncadd.s32 $0xFFFFEC00  }
0xc8: {  	[spmem:s3] =	stream.indirect.scatter.add.f32 [tilespmem:s10], [sflag:$0x6], $0x80, s21, s16, $0xb8;
	[tilespmem:$0x1E320] =	vst v63  }
0xc9: {  	_ =	swait.ge [sflag:s6], $0x2800  }
0xca: {  	[sflag:s6] =	ssyncset.done $0x0  }
0xcb: {  	s21 =	sadd.s32 $0xA0, s20;
	[sflag:s6] =	ssyncadd.s32 $0xFFFFD800  }
0xcc: {  	[tilespmem:s10], [sflag:$0x1] =	stream.indirect.gather [hbm4b:s2+s9], $0x80, s21, s9, $0xb8;
	[tilespmem:$0x1E320] =	vst v63  }
0xcd: {  	s21 =	sadd.s32 $0xC8, s20  }
0xce: {  	[tilespmem:s11], [sflag:$0x2] =	stream.indirect.gather [hbm4b:s2+s9], $0x80, s21, s9, $0xb8;
	[tilespmem:$0x1E320] =	vst v63  }
0xcf: {  	_ =	swait.ge [sflag:s17], $0x1400  }
0xd0: {  	[sflag:s17] =	ssyncset.done $0x0  }
0xd1: {  	[sflag:s17] =	ssyncadd.s32 $0xFFFFEC00  }
0xd2: {  	_ =	swait.ge [sflag:s18], $0x1400  }
.Ltmp1:
0xd3: {  	[sflag:s18] =	ssyncset.done $0x0;
	(pc) =	sbr.rel @p0 .LBB2_4-.Ltmp1, $4  }
0xd4: {  	s20 =	sadd.s32 $0x2760, s20;
	[sflag:s18] =	ssyncadd.s32 $0xFFFFEC00  }
0xd5: {  	[spmem:s3] =	stream.indirect.scatter.add.f32 [tilespmem:s12], [sflag:$0x6], $0x80, s20, s16, $0xb8;
	[tilespmem:$0x1E320] =	vst v63  }
0xd6: {  	_ =	swait.ge [sflag:s6], $0x2800  }
0xd7: {  	s21 =	smov.u32 s24;
	s20 =	sshra.s32 s23, $0x2;
	[sflag:s6] =	ssyncset.done $0x0  }
0xd8: {  	s21 =	sadd.s32 $0x50, s20;
	[sflag:s6] =	ssyncadd.s32 $0xFFFFD800  }
0xd9: {  	[tilespmem:s12], [sflag:$0x3] =	stream.indirect.gather [hbm4b:s2+s9], $0x80, s21, s9, $0xb8;
	[tilespmem:$0x1E320] =	vst v63  }
0xda: {  	s24 =	sadd.s32 $0x78, s20  }
0xdb: {  	[tilespmem:s13], [sflag:$0x4] =	stream.indirect.gather [hbm4b:s2+s9], $0x80, s24, s9, $0xb8;
	[tilespmem:$0x1E320] =	vst v63  }
0xdc: {  	_ =	swait.ge [sflag:s14], $0x1400  }
0xdd: {  	[sflag:s14] =	ssyncset.done $0x0  }
0xde: {  	[sflag:s14] =	ssyncadd.s32 $0xFFFFEC00  }
0xdf: {  	_ =	swait.ge [sflag:s15], $0x1400  }
0xe0: {  	[sflag:s15] =	ssyncset.done $0x0  }
0xe1: {  	s22 =	sadd.s32 $0x2710, s20;
	[sflag:s15] =	ssyncadd.s32 $0xFFFFEC00  }
0xe2: {  	[spmem:s3] =	stream.indirect.scatter.add.f32 [tilespmem:s10], [sflag:$0x6], $0x80, s22, s16, $0xb8;
	[tilespmem:$0x1E320] =	vst v63  }
0xe3: {  	_ =	swait.ge [sflag:s6], $0x2800  }
0xe4: {  	[sflag:s6] =	ssyncset.done $0x0  }
0xe5: {  	s23 =	sadd.s32 $0xA0, s20;
	[sflag:s6] =	ssyncadd.s32 $0xFFFFD800  }
0xe6: {  	[tilespmem:s10], [sflag:$0x1] =	stream.indirect.gather [hbm4b:s2+s9], $0x80, s23, s9, $0xb8;
	[tilespmem:$0x1E320] =	vst v63  }
0xe7: {  	s24 =	sadd.s32 $0xC8, s20  }
0xe8: {  	[tilespmem:s11], [sflag:$0x2] =	stream.indirect.gather [hbm4b:s2+s9], $0x80, s24, s9, $0xb8;
	[tilespmem:$0x1E320] =	vst v63  }
0xe9: {  	_ =	swait.ge [sflag:s17], $0x1400  }
0xea: {  	[sflag:s17] =	ssyncset.done $0x0  }
0xeb: {  	[sflag:s17] =	ssyncadd.s32 $0xFFFFEC00  }
0xec: {  	_ =	swait.ge [sflag:s18], $0x1400  }
0xed: {  	[sflag:s18] =	ssyncset.done $0x0  }
0xee: {  	s21 =	sadd.s32 $0x2760, s20;
	[sflag:s18] =	ssyncadd.s32 $0xFFFFEC00  }
0xef: {  	[spmem:s3] =	stream.indirect.scatter.add.f32 [tilespmem:s12], [sflag:$0x6], $0x80, s21, s16, $0xb8;
	[tilespmem:$0x1E320] =	vst v63  }
0xf0: {  	_ =	swait.ge [sflag:s6], $0x2800  }
0xf1: {  	[sflag:s6] =	ssyncset.done $0x0  }
0xf2: {  	[sflag:s6] =	ssyncadd.s32 $0xFFFFD800  }
0xf3: {  	_ =	swait.ge [sflag:s14], $0x1400  }
0xf4: {  	[sflag:s14] =	ssyncset.done $0x0  }
0xf5: {  	[sflag:s14] =	ssyncadd.s32 $0xFFFFEC00  }
0xf6: {  	_ =	swait.ge [sflag:s15], $0x1400  }
0xf7: {  	[sflag:s15] =	ssyncset.done $0x0  }
0xf8: {  	s22 =	simm.s32 $0x4DD0;
	[sflag:s15] =	ssyncadd.s32 $0xFFFFEC00  }
0xf9: {  	[spmem:s3] =	stream.indirect.scatter.add.f32 [tilespmem:s10], [sflag:$0x6], $0x80, s22, s16, $0xb8;
	[tilespmem:$0x1E320] =	vst v63  }
0xfa: {  	s23 =	stileid.u32;
	_ =	swait.ge [sflag:s6], $0x2800  }
0xfb: {  	s19 =	sadd.s32 $0x1, s19;
	s20 =	sshll.u32 s23, $0x6;
	[sflag:s6] =	ssyncset.done $0x0  }
0xfc: {  	p0 =	sne.s32 s19, s4;
	s20 =	sor.u32 $0x1C06, s20;
	[sflag:s6] =	ssyncadd.s32 $0xFFFFD800  }
.Ltmp2:
0xfd: {  	s24 =	sshrl.u32 s7, $0x3;
	[bflag:$0x0] =	sbarrier.arrive $0xFFFF;
	(pc) =	sbr.rel @p0 .LBB2_1-.Ltmp2, $4  }
0xfe: {  	[hbm:s1], [sflag:s20] =	dma.local [spmem:s24], $0x2710  }
0xff: {  	_ =	swait.ge [sflag:s6], $0x2710  }
0x100: {  	[sflag:s6] =	ssyncset.done $0x0  }
0x101: {  	[sflag:s6] =	ssyncadd.s32 $0xFFFFD8F0  }
0x102: {  	_ =	sfence.sel $0x180000  }
0x103: {  	[bflag:$0x0] =	sbarrier.arrive $0xFFFF  }
0x104: {  	_ =	strace $0x9000004A  }
0x105: {  	s0 =	stileid.u32;
	[bflag:$0x2] =	sbarrier.arrive $0xFFFF  }
0x106: {  	p0 =	sne.s32 s0, $0x0;
	s0 =	rddreg [dreg:$0x3]  }
0x107: {  	s0 =	sadd.s32 @!p0 $0x100000, s0  }
0x108: {  	[sflag:s0] =	ssyncadd.tile.s32 @!p0 $0x1;
	_ =	shalt  }
.Lfunc_end2:
_tile_overlayer_lowered:
.L_overlay_start_2:
0x109: {  	(tag) =	ssettag $0x2  }
0x10a: {  	s0 =	rddreg [dreg:$0x0];
	s2 =	stileid.u32  }
0x10b: {  	s1 =	rddreg [dreg:$0x1];
	p0 =	sne.s32 s2, $0x0  }
0x10c: {  	s3 =	rddreg [dreg:$0x2];
	[bflag:$0x3] =	sbarrier.arrive $0xFFFF;
	s2 =	simm.s32 @!p0 $0x1C06  }
0x10d: {  	[timem:s3], [sflag:s2] =	dma.local @!p0 [hbm:s0], s1  }
0x10e: {  	s0 =	simm.s32 @!p0 $0x6  }
0x10f: {  	_ =	swait.ge @!p0 [sflag:s0], s1  }
0x110: {  	s1 =	ssub.s32 @!p0 $0x0, s1;
	[sflag:s0] =	ssyncset.done @!p0 $0x0  }
0x111: {  	[sflag:s0] =	ssyncadd.s32 @!p0 s1  }
0x112: {  	[bflag:$0x3] =	sbarrier.arrive $0xFFFF  }
0x113: {  	_ =	shalt  }

</sc_bundles>
